<compile_context>
chip_gen: v7x
topology: tpu7x:2x2x1
jax: 0.10.2.dev20260603
libtpu: 0.0.44.dev20260713+nightly
codegen_flags: <defaults>
</compile_context>

<pallas_src>
import functools

import jax
import jax.numpy as jnp
from jax import lax
from jax.experimental import pallas as pl
from jax.experimental.pallas import tpu as pltpu
from jax.experimental.pallas import tpu_sc as plsc

NN = 10000
NE = 320000
FD = 128
HD = 256
CD = 40
DP = 48
NP = 10240
BR = 512
GR = NP // BR

NC = 2
NS = 16
NW = NC * NS
CHW = 640
NCH = 16
EPT = NCH * CHW
EPAD = NW * EPT
RPT = NP // NS
ZR = 128

_mesh = plsc.VectorSubcoreMesh(core_axis_name="c", subcore_axis_name="s")
_sc_params = pltpu.CompilerParams(
    needs_layout_passes=False, use_tc_tiling_on_sc=False
)


@functools.partial(
    pl.kernel,
    mesh=_mesh,
    out_type=jax.ShapeDtypeStruct((NW, NP), jnp.float32),
    scratch_types=[
        pltpu.VMEM((EPT,), jnp.int32),
        pltpu.VMEM((NP,), jnp.float32),
    ],
    compiler_params=_sc_params,
)
def _deg_kernel(dst_hbm, degp_hbm, dbuf, degloc):
    c = lax.axis_index("c")
    s = lax.axis_index("s")
    wid = c * NS + s
    zero16 = jnp.zeros((16,), jnp.float32)
    ones16 = jnp.ones((16,), jnp.float32)

    def zbody(i, carry):
        degloc[pl.ds(i * 16, 16)] = zero16
        return carry

    lax.fori_loop(0, NP // 16, zbody, 0)

    pltpu.sync_copy(dst_hbm.at[pl.ds(wid * EPT, EPT)], dbuf)

    def inner(i, icarry):
        idx = dbuf[pl.ds(i * 16, 16)]
        plsc.addupdate_scatter(degloc, [idx], ones16)
        return icarry

    lax.fori_loop(0, EPT // 16, inner, 0)
    pltpu.sync_copy(degloc, degp_hbm.at[wid])


@functools.partial(
    pl.kernel,
    mesh=_mesh,
    out_type=jax.ShapeDtypeStruct((NC * NP, DP), jnp.float32),
    scratch_types=[
        pltpu.VMEM((NCH, CHW), jnp.int32),
        pltpu.VMEM((NCH, CHW), jnp.int32),
        [pltpu.VMEM((CHW, DP), jnp.float32)] * 2,
        pltpu.VMEM((ZR, DP), jnp.float32),
        pltpu.VMEM_SHARED((NP, DP), jnp.float32),
        [pltpu.SemaphoreType.DMA] * 2,
    ],
    compiler_params=_sc_params,
)
def _hop_kernel(h_hbm, src_hbm, dst_hbm, out_hbm, srcb, dstb, rows,
                zbuf, accum, gsem):
    c = lax.axis_index("c")
    s = lax.axis_index("s")
    wid = c * NS + s
    zero16 = jnp.zeros((16,), jnp.float32)

    def zrow(i, carry):
        for jcol in range(DP // 16):
            zbuf[i, pl.ds(jcol * 16, 16)] = zero16
        return carry

    lax.fori_loop(0, ZR, zrow, 0)

    rbase = s * RPT
    for i in range(RPT // ZR):
        pltpu.sync_copy(zbuf, accum.at[pl.ds(rbase + i * ZR, ZR)])

    pltpu.sync_copy(src_hbm.at[wid], srcb)
    pltpu.sync_copy(dst_hbm.at[wid], dstb)
    plsc.subcore_barrier()

    pltpu.async_copy(h_hbm.at[srcb.at[0]], rows[0], gsem[0])

    def pair(i, carry):
        j = i * 2
        pltpu.async_copy(h_hbm.at[srcb.at[j + 1]], rows[1], gsem[1])
        pltpu.make_async_copy(h_hbm.at[srcb.at[j]], rows[0], gsem[0]).wait()
        pltpu.sync_copy(rows[0], accum.at[dstb.at[j]], add=True)

        @pl.when(j + 2 < NCH)
        def _():
            pltpu.async_copy(h_hbm.at[srcb.at[j + 2]], rows[0], gsem[0])

        pltpu.make_async_copy(h_hbm.at[srcb.at[j + 1]], rows[1], gsem[1]).wait()
        pltpu.sync_copy(rows[1], accum.at[dstb.at[j + 1]], add=True)
        return carry

    lax.fori_loop(0, NCH // 2, pair, 0)
    plsc.subcore_barrier()
    pltpu.sync_copy(
        accum.at[pl.ds(rbase, RPT)],
        out_hbm.at[pl.ds(c * NP + rbase, RPT)],
    )


def _tc1_body(x_ref, wsgc_ref, wmlp_ref, degp_ref, h0_ref):
    deg = jnp.sum(degp_ref[...], axis=0) + 1.0
    dinv = lax.rsqrt(deg)
    wf = jnp.dot(wsgc_ref[...], wmlp_ref[...], preferred_element_type=jnp.float32)
    z = jnp.dot(x_ref[...], wf, preferred_element_type=jnp.float32)
    h0_ref[...] = z * dinv[:, None]


def _tc2_body(sa_ref, sb_ref, h0_ref, degp_ref, h1_ref):
    deg = jnp.sum(degp_ref[...], axis=0) + 1.0
    ssum = sa_ref[...] + sb_ref[...] + h0_ref[...]
    h1_ref[...] = ssum / deg[:, None]


def _tc3_body(sa_ref, sb_ref, h1_ref, degp_ref, wmlp_ref, bsgc_ref, bmlp_ref, out_ref):
    deg = jnp.sum(degp_ref[...], axis=0) + 1.0
    dinv = lax.rsqrt(deg)
    r = (sa_ref[...] + sb_ref[...] + h1_ref[...]) * dinv[:, None]
    bf = jnp.dot(bsgc_ref[...], wmlp_ref[...], preferred_element_type=jnp.float32) + bmlp_ref[...]
    out_ref[...] = r[:, :CD] + bf


_row_spec = pl.BlockSpec((BR, DP), lambda i: (i, 0))
_dega_spec = pl.BlockSpec((NW, BR), lambda i: (0, i))
_sa_spec = pl.BlockSpec((BR, DP), lambda i: (i, 0))
_sb_spec = pl.BlockSpec((BR, DP), lambda i: (i + GR, 0))

_tc1 = pl.pallas_call(
    _tc1_body,
    grid=(GR,),
    in_specs=[
        pl.BlockSpec((BR, FD), lambda i: (i, 0)),
        pl.BlockSpec((FD, HD), lambda i: (0, 0)),
        pl.BlockSpec((HD, DP), lambda i: (0, 0)),
        _dega_spec,
    ],
    out_specs=_row_spec,
    out_shape=jax.ShapeDtypeStruct((NN, DP), jnp.float32),
)

_tc2 = pl.pallas_call(
    _tc2_body,
    grid=(GR,),
    in_specs=[_sa_spec, _sb_spec, _row_spec, _dega_spec],
    out_specs=_row_spec,
    out_shape=jax.ShapeDtypeStruct((NN, DP), jnp.float32),
)

_tc3 = pl.pallas_call(
    _tc3_body,
    grid=(GR,),
    in_specs=[
        _sa_spec,
        _sb_spec,
        _row_spec,
        _dega_spec,
        pl.BlockSpec((HD, CD), lambda i: (0, 0)),
        pl.BlockSpec((1, HD), lambda i: (0, 0)),
        pl.BlockSpec((1, CD), lambda i: (0, 0)),
    ],
    out_specs=pl.BlockSpec((BR, CD), lambda i: (i, 0)),
    out_shape=jax.ShapeDtypeStruct((NN, CD), jnp.float32),
)


def kernel(x, edge_index, W_sgc, b_sgc, W_mlp, b_mlp):
    src = edge_index[0]
    dst = edge_index[1]
    wmlp_pad = jnp.pad(W_mlp, ((0, 0), (0, DP - CD)))
    npad = EPAD - NE
    pads = jnp.arange(npad, dtype=jnp.int32)
    srcp = jnp.concatenate([src, pads % NN])
    dstp = jnp.concatenate([dst, NN + pads % (NP - NN)])
    src3 = srcp.reshape(NW, NCH, CHW)
    dst3 = dstp.reshape(NW, NCH, CHW)

    degp = _deg_kernel(dstp)
    h0 = _tc1(x, W_sgc, wmlp_pad, degp)
    s1 = _hop_kernel(h0, src3, dst3)
    h1 = _tc2(s1, s1, h0, degp)
    s2 = _hop_kernel(h1, src3, dst3)
    return _tc3(s2, s2, h1, degp, W_mlp,
                b_sgc.reshape(1, HD), b_mlp.reshape(1, CD))

# --- scband reference (transcript-rebuilt; emitter-appended) ---
"""Pipeline reference for scband-pygsgc-66005057405283 (READ-ONLY COPY).

The authoritative reference and input builder live on the scoring server;
editing this copy changes nothing except your own understanding.
"""

import jax, jax.numpy as jnp
import numpy as np

N = 10000
E = 320000
F_IN = 128
H = 256
C = 40
K_HOPS = 2


def setup_inputs(seed: int = 0) -> dict:
    key = jax.random.key(seed)
    k1, k2, k3, k4 = jax.random.split(key, 4)
    x = jax.random.normal(k1, (N, F_IN), dtype=jnp.float32)
    edge_index = jax.random.randint(k2, (2, E), 0, N, dtype=jnp.int32)
    W_sgc = jax.random.normal(k3, (F_IN, H), dtype=jnp.float32) * (1.0 / np.sqrt(F_IN))
    b_sgc = jnp.zeros((H,), dtype=jnp.float32)
    W_mlp = jax.random.normal(k4, (H, C), dtype=jnp.float32) * (1.0 / np.sqrt(H))
    b_mlp = jnp.zeros((C,), dtype=jnp.float32)
    return {"x": x, "edge_index": edge_index, "W_sgc": W_sgc, "b_sgc": b_sgc, "W_mlp": W_mlp, "b_mlp": b_mlp}


def reference(x, edge_index, W_sgc, b_sgc, W_mlp, b_mlp):
    # SGConv: K hops of D^-1/2 (A + I) D^-1/2 propagation, then a single linear layer.
    n = x.shape[0]
    src = edge_index[0]
    dst = edge_index[1]
    # add self loops (PyG gcn_norm default)
    loop = jnp.arange(n, dtype=src.dtype)
    src = jnp.concatenate([src, loop])
    dst = jnp.concatenate([dst, loop])
    deg = jnp.zeros((n,), dtype=x.dtype).at[dst].add(1.0)
    dinv = jnp.where(deg > 0, deg ** -0.5, 0.0)
    norm = dinv[src] * dinv[dst]
    h = x
    for _ in range(K_HOPS):
        msg = norm[:, None] * jnp.take(h, src, axis=0)
        h = jax.ops.segment_sum(msg, dst, num_segments=n)
    h = h @ W_sgc + b_sgc
    # MLP head (num_layers=1 -> single linear hidden_dimension -> num_class)
    out = h @ W_mlp + b_mlp
    return out

if __name__ == "__main__":
    import jax
    _d = setup_inputs()
    print(jax.jit(kernel)(*tuple(_d.values())))

</pallas_src>

<mosaic_0001>
#map = affine_map<(d0, d1) -> (0)>
#map1 = affine_map<(d0, d1) -> (0, 0)>
module attributes {stable_mosaic.version = 14 : i64} {
  func.func @_deg_kernel(%arg0: i32, %arg1: i32, %arg2: memref<327680xi32, #tpu.memory_space<hbm>>, %arg3: memref<32x10240xf32, #tpu.memory_space<hbm>>, %arg4: memref<10240xi32, #tpu.memory_space<vmem>>, %arg5: memref<10240xf32, #tpu.memory_space<vmem>>) attributes {dimension_semantics = [#tpu.dimension_semantics<core_parallel>, #tpu.dimension_semantics<subcore_parallel>], iteration_bounds = array<i64: 2, 16>, scalar_prefetch = 0 : i64, scratch_operands = 2 : i64, tpu.core_type = #tpu.core_type<sc_vector_subcore>, window_params = [{transform_indices = #map}, {transform_indices = #map1}]} {
    %mul3A = arith.constant 16 : i32
    %mul3A_0 = arith.muli %arg0, %mul3A : i32
    %add3A = arith.addi %mul3A_0, %arg1 : i32
    %broadcast_in_dim3A = arith.constant 0.000000e+00 : f32
    %broadcast_in_dim3A_1 = vector.broadcast %broadcast_in_dim3A : f32 to vector<16xf32>
    %broadcast_in_dim3A_2 = arith.constant 1.000000e+00 : f32
    %broadcast_in_dim3A_3 = vector.broadcast %broadcast_in_dim3A_2 : f32 to vector<16xf32>
    %scan3A = arith.constant 0 : i32
    %scan3A_4 = arith.constant 0 : i32
    %scan3A_5 = arith.constant 640 : i32
    %scan3A_6 = arith.addi %scan3A_4, %scan3A_5 : i32
    %scan3A_7 = arith.constant 1 : i32
    scf.for %scan3A_17 = %scan3A_4 to %scan3A_6 step %scan3A_7  : i32 {
      %mul3A_18 = arith.constant 16 : i32
      %mul3A_19 = arith.muli %scan3A_17, %mul3A_18 : i32
      %swap3A = arith.index_cast %mul3A_19 : i32 to index
      %swap3A_20 = tpu.vector_load %arg5[%swap3A] {strides = array<i32>} : memref<10240xf32, #tpu.memory_space<vmem>>, vector<16xf32>,
      tpu.vector_store %arg5[%swap3A], %broadcast_in_dim3A_1 {strides = array<i32>} : memref<10240xf32, #tpu.memory_space<vmem>>, vector<16xf32>,
    }
    %scan3A_8 = arith.constant 640 : i32
    %mul3A_9 = arith.constant 10240 : i32
    %mul3A_10 = arith.muli %add3A, %mul3A_9 : i32
    "tpu.region"() ({
      %run_scoped3A = tpu.sem_alloc : memref<!tpu.dma_semaphore, #tpu.memory_space<semaphore_mem>>
      %dma_start3A = tpu.memref_slice %arg2[%mul3A_10] : memref<327680xi32, #tpu.memory_space<hbm>> -> memref<10240xi32, #tpu.memory_space<hbm>>
      %dma_start3A_17 = tpu.memref_slice %arg2[%mul3A_10] : memref<327680xi32, #tpu.memory_space<hbm>> -> memref<10240xi32, #tpu.memory_space<hbm>>
      tpu.enqueue_dma source(%dma_start3A_17 : memref<10240xi32, #tpu.memory_space<hbm>>) target(%arg4 : memref<10240xi32, #tpu.memory_space<vmem>>) target_semaphore(%run_scoped3A : memref<!tpu.dma_semaphore, #tpu.memory_space<semaphore_mem>>)
      %dma_wait3A = tpu.memref_slice %arg2[%mul3A_10] : memref<327680xi32, #tpu.memory_space<hbm>> -> memref<10240xi32, #tpu.memory_space<hbm>>
      %dma_wait3A_18 = tpu.memref_slice %arg2[%mul3A_10] : memref<327680xi32, #tpu.memory_space<hbm>> -> memref<10240xi32, #tpu.memory_space<hbm>>
      tpu.wait_dma2 semaphore(%run_scoped3A : memref<!tpu.dma_semaphore, #tpu.memory_space<semaphore_mem>>) src(%dma_wait3A_18 : memref<10240xi32, #tpu.memory_space<hbm>>) dst(%arg4 : memref<10240xi32, #tpu.memory_space<vmem>>)
      tpu.yield
    }) : () -> ()
    %scan3A_11 = arith.constant 0 : i32
    %scan3A_12 = arith.constant 0 : i32
    %scan3A_13 = arith.constant 640 : i32
    %scan3A_14 = arith.addi %scan3A_12, %scan3A_13 : i32
    %scan3A_15 = arith.constant 1 : i32
    scf.for %scan3A_17 = %scan3A_12 to %scan3A_14 step %scan3A_15  : i32 {
      %mul3A_18 = arith.constant 16 : i32
      %mul3A_19 = arith.muli %scan3A_17, %mul3A_18 : i32
      %get3A = arith.index_cast %mul3A_19 : i32 to index
      %get3A_20 = tpu.vector_load %arg4[%get3A] {strides = array<i32>} : memref<10240xi32, #tpu.memory_space<vmem>>, vector<16xi32>,
      tpu.vector_store_idx %arg5[%get3A_20], %broadcast_in_dim3A_3 {add = true} : memref<10240xf32, #tpu.memory_space<vmem>>[vector<16xi32>], vector<16xf32>,
    }
    %scan3A_16 = arith.constant 640 : i32
    "tpu.region"() ({
      %run_scoped3A = tpu.sem_alloc : memref<!tpu.dma_semaphore, #tpu.memory_space<semaphore_mem>>
      %dma_start3A = arith.constant 0 : i32
      %dma_start3A_17 = tpu.memref_slice %arg3[%add3A, %dma_start3A] : memref<32x10240xf32, #tpu.memory_space<hbm>> -> memref<1x10240xf32, #tpu.memory_space<hbm>>
      %dma_start3A_18 = tpu.memref_squeeze %dma_start3A_17 : memref<1x10240xf32, #tpu.memory_space<hbm>> -> memref<10240xf32, #tpu.memory_space<hbm>>
      %dma_start3A_19 = arith.constant 0 : i32
      %dma_start3A_20 = tpu.memref_slice %arg3[%add3A, %dma_start3A_19] : memref<32x10240xf32, #tpu.memory_space<hbm>> -> memref<1x10240xf32, #tpu.memory_space<hbm>>
      %dma_start3A_21 = tpu.memref_squeeze %dma_start3A_20 : memref<1x10240xf32, #tpu.memory_space<hbm>> -> memref<10240xf32, #tpu.memory_space<hbm>>
      tpu.enqueue_dma source(%arg5 : memref<10240xf32, #tpu.memory_space<vmem>>) target(%dma_start3A_21 : memref<10240xf32, #tpu.memory_space<hbm>>) target_semaphore(%run_scoped3A : memref<!tpu.dma_semaphore, #tpu.memory_space<semaphore_mem>>)
      %dma_wait3A = arith.constant 0 : i32
      %dma_wait3A_22 = tpu.memref_slice %arg3[%add3A, %dma_wait3A] : memref<32x10240xf32, #tpu.memory_space<hbm>> -> memref<1x10240xf32, #tpu.memory_space<hbm>>
      %dma_wait3A_23 = tpu.memref_squeeze %dma_wait3A_22 : memref<1x10240xf32, #tpu.memory_space<hbm>> -> memref<10240xf32, #tpu.memory_space<hbm>>
      %dma_wait3A_24 = arith.constant 0 : i32
      %dma_wait3A_25 = tpu.memref_slice %arg3[%add3A, %dma_wait3A_24] : memref<32x10240xf32, #tpu.memory_space<hbm>> -> memref<1x10240xf32, #tpu.memory_space<hbm>>
      %dma_wait3A_26 = tpu.memref_squeeze %dma_wait3A_25 : memref<1x10240xf32, #tpu.memory_space<hbm>> -> memref<10240xf32, #tpu.memory_space<hbm>>
      tpu.wait_dma2 semaphore(%run_scoped3A : memref<!tpu.dma_semaphore, #tpu.memory_space<semaphore_mem>>) src(%arg5 : memref<10240xf32, #tpu.memory_space<vmem>>) dst(%dma_wait3A_26 : memref<10240xf32, #tpu.memory_space<hbm>>)
      tpu.yield
    }) : () -> ()
    return
  }
}

#map = affine_map<(d0, d1) -> (0, 0)>
#map1 = affine_map<(d0, d1) -> (0, 0, 0)>
module attributes {stable_mosaic.version = 14 : i64} {
  func.func @_hop_kernel(%arg0: i32, %arg1: i32, %arg2: memref<10000x48xf32, #tpu.memory_space<hbm>>, %arg3: memref<32x16x640xi32, #tpu.memory_space<hbm>>, %arg4: memref<32x16x640xi32, #tpu.memory_space<hbm>>, %arg5: memref<20480x48xf32, #tpu.memory_space<hbm>>, %arg6: memref<16x640xi32, #tpu.memory_space<vmem>>, %arg7: memref<16x640xi32, #tpu.memory_space<vmem>>, %arg8: memref<640x48xf32, #tpu.memory_space<vmem>>, %arg9: memref<640x48xf32, #tpu.memory_space<vmem>>, %arg10: memref<128x48xf32, #tpu.memory_space<vmem>>, %arg11: memref<10240x48xf32, #tpu.memory_space<vmem_shared>>, %arg12: memref<!tpu.dma_semaphore, #tpu.memory_space<semaphore_mem>>, %arg13: memref<!tpu.dma_semaphore, #tpu.memory_space<semaphore_mem>>) attributes {dimension_semantics = [#tpu.dimension_semantics<core_parallel>, #tpu.dimension_semantics<subcore_parallel>], iteration_bounds = array<i64: 2, 16>, scalar_prefetch = 0 : i64, scratch_operands = 8 : i64, tpu.core_type = #tpu.core_type<sc_vector_subcore>, window_params = [{transform_indices = #map}, {transform_indices = #map1}, {transform_indices = #map1}, {transform_indices = #map}]} {
    %mul3A = arith.constant 16 : i32
    %mul3A_0 = arith.muli %arg0, %mul3A : i32
    %add3A = arith.addi %mul3A_0, %arg1 : i32
    %broadcast_in_dim3A = arith.constant 0.000000e+00 : f32
    %broadcast_in_dim3A_1 = vector.broadcast %broadcast_in_dim3A : f32 to vector<16xf32>
    %scan3A = arith.constant 0 : i32
    %scan3A_2 = arith.constant 0 : i32
    %scan3A_3 = arith.constant 128 : i32
    %scan3A_4 = arith.addi %scan3A_2, %scan3A_3 : i32
    %scan3A_5 = arith.constant 1 : i32
    scf.for %scan3A_35 = %scan3A_2 to %scan3A_4 step %scan3A_5  : i32 {
      %swap3A = arith.index_cast %scan3A_35 : i32 to index
      %swap3A_36 = arith.constant 0 : index
      %swap3A_37 = tpu.vector_load %arg10[%swap3A, %swap3A_36] {strides = array<i32>} : memref<128x48xf32, #tpu.memory_space<vmem>>, vector<16xf32>,
      tpu.vector_store %arg10[%swap3A, %swap3A_36], %broadcast_in_dim3A_1 {strides = array<i32>} : memref<128x48xf32, #tpu.memory_space<vmem>>, vector<16xf32>,
      %swap3A_38 = arith.index_cast %scan3A_35 : i32 to index
      %swap3A_39 = arith.constant 16 : index
      %swap3A_40 = tpu.vector_load %arg10[%swap3A_38, %swap3A_39] {strides = array<i32>} : memref<128x48xf32, #tpu.memory_space<vmem>>, vector<16xf32>,
      tpu.vector_store %arg10[%swap3A_38, %swap3A_39], %broadcast_in_dim3A_1 {strides = array<i32>} : memref<128x48xf32, #tpu.memory_space<vmem>>, vector<16xf32>,
      %swap3A_41 = arith.index_cast %scan3A_35 : i32 to index
      %swap3A_42 = arith.constant 32 : index
      %swap3A_43 = tpu.vector_load %arg10[%swap3A_41, %swap3A_42] {strides = array<i32>} : memref<128x48xf32, #tpu.memory_space<vmem>>, vector<16xf32>,
      tpu.vector_store %arg10[%swap3A_41, %swap3A_42], %broadcast_in_dim3A_1 {strides = array<i32>} : memref<128x48xf32, #tpu.memory_space<vmem>>, vector<16xf32>,
    }
    %scan3A_6 = arith.constant 128 : i32
    %mul3A_7 = arith.constant 640 : i32
    %mul3A_8 = arith.muli %arg1, %mul3A_7 : i32
    %add3A_9 = arith.constant 0 : i32
    %add3A_10 = arith.addi %mul3A_8, %add3A_9 : i32
    "tpu.region"() ({
      %run_scoped3A = tpu.sem_alloc : memref<!tpu.dma_semaphore, #tpu.memory_space<semaphore_mem>>
      %dma_start3A_35 = arith.constant 0 : i32
      %dma_start3A_36 = tpu.memref_slice %arg11[%add3A_10, %dma_start3A_35] : memref<10240x48xf32, #tpu.memory_space<vmem_shared>> -> memref<128x48xf32, #tpu.memory_space<vmem_shared>>
      %dma_start3A_37 = arith.constant 0 : i32
      %dma_start3A_38 = tpu.memref_slice %arg11[%add3A_10, %dma_start3A_37] : memref<10240x48xf32, #tpu.memory_space<vmem_shared>> -> memref<128x48xf32, #tpu.memory_space<vmem_shared>>
      tpu.enqueue_dma source(%arg10 : memref<128x48xf32, #tpu.memory_space<vmem>>) target(%dma_start3A_38 : memref<128x48xf32, #tpu.memory_space<vmem_shared>>) target_semaphore(%run_scoped3A : memref<!tpu.dma_semaphore, #tpu.memory_space<semaphore_mem>>)
      %dma_wait3A = arith.constant 0 : i32
      %dma_wait3A_39 = tpu.memref_slice %arg11[%add3A_10, %dma_wait3A] : memref<10240x48xf32, #tpu.memory_space<vmem_shared>> -> memref<128x48xf32, #tpu.memory_space<vmem_shared>>
      %dma_wait3A_40 = arith.constant 0 : i32
      %dma_wait3A_41 = tpu.memref_slice %arg11[%add3A_10, %dma_wait3A_40] : memref<10240x48xf32, #tpu.memory_space<vmem_shared>> -> memref<128x48xf32, #tpu.memory_space<vmem_shared>>
      tpu.wait_dma2 semaphore(%run_scoped3A : memref<!tpu.dma_semaphore, #tpu.memory_space<semaphore_mem>>) src(%arg10 : memref<128x48xf32, #tpu.memory_space<vmem>>) dst(%dma_wait3A_41 : memref<128x48xf32, #tpu.memory_space<vmem_shared>>)
      tpu.yield
    }) : () -> ()
    %add3A_11 = arith.constant 128 : i32
    %add3A_12 = arith.addi %mul3A_8, %add3A_11 : i32
    "tpu.region"() ({
      %run_scoped3A = tpu.sem_alloc : memref<!tpu.dma_semaphore, #tpu.memory_space<semaphore_mem>>
      %dma_start3A_35 = arith.constant 0 : i32
      %dma_start3A_36 = tpu.memref_slice %arg11[%add3A_12, %dma_start3A_35] : memref<10240x48xf32, #tpu.memory_space<vmem_shared>> -> memref<128x48xf32, #tpu.memory_space<vmem_shared>>
      %dma_start3A_37 = arith.constant 0 : i32
      %dma_start3A_38 = tpu.memref_slice %arg11[%add3A_12, %dma_start3A_37] : memref<10240x48xf32, #tpu.memory_space<vmem_shared>> -> memref<128x48xf32, #tpu.memory_space<vmem_shared>>
      tpu.enqueue_dma source(%arg10 : memref<128x48xf32, #tpu.memory_space<vmem>>) target(%dma_start3A_38 : memref<128x48xf32, #tpu.memory_space<vmem_shared>>) target_semaphore(%run_scoped3A : memref<!tpu.dma_semaphore, #tpu.memory_space<semaphore_mem>>)
      %dma_wait3A = arith.constant 0 : i32
      %dma_wait3A_39 = tpu.memref_slice %arg11[%add3A_12, %dma_wait3A] : memref<10240x48xf32, #tpu.memory_space<vmem_shared>> -> memref<128x48xf32, #tpu.memory_space<vmem_shared>>
      %dma_wait3A_40 = arith.constant 0 : i32
      %dma_wait3A_41 = tpu.memref_slice %arg11[%add3A_12, %dma_wait3A_40] : memref<10240x48xf32, #tpu.memory_space<vmem_shared>> -> memref<128x48xf32, #tpu.memory_space<vmem_shared>>
      tpu.wait_dma2 semaphore(%run_scoped3A : memref<!tpu.dma_semaphore, #tpu.memory_space<semaphore_mem>>) src(%arg10 : memref<128x48xf32, #tpu.memory_space<vmem>>) dst(%dma_wait3A_41 : memref<128x48xf32, #tpu.memory_space<vmem_shared>>)
      tpu.yield
    }) : () -> ()
    %add3A_13 = arith.constant 256 : i32
    %add3A_14 = arith.addi %mul3A_8, %add3A_13 : i32
    "tpu.region"() ({
      %run_scoped3A = tpu.sem_alloc : memref<!tpu.dma_semaphore, #tpu.memory_space<semaphore_mem>>
      %dma_start3A_35 = arith.constant 0 : i32
      %dma_start3A_36 = tpu.memref_slice %arg11[%add3A_14, %dma_start3A_35] : memref<10240x48xf32, #tpu.memory_space<vmem_shared>> -> memref<128x48xf32, #tpu.memory_space<vmem_shared>>
      %dma_start3A_37 = arith.constant 0 : i32
      %dma_start3A_38 = tpu.memref_slice %arg11[%add3A_14, %dma_start3A_37] : memref<10240x48xf32, #tpu.memory_space<vmem_shared>> -> memref<128x48xf32, #tpu.memory_space<vmem_shared>>
      tpu.enqueue_dma source(%arg10 : memref<128x48xf32, #tpu.memory_space<vmem>>) target(%dma_start3A_38 : memref<128x48xf32, #tpu.memory_space<vmem_shared>>) target_semaphore(%run_scoped3A : memref<!tpu.dma_semaphore, #tpu.memory_space<semaphore_mem>>)
      %dma_wait3A = arith.constant 0 : i32
      %dma_wait3A_39 = tpu.memref_slice %arg11[%add3A_14, %dma_wait3A] : memref<10240x48xf32, #tpu.memory_space<vmem_shared>> -> memref<128x48xf32, #tpu.memory_space<vmem_shared>>
      %dma_wait3A_40 = arith.constant 0 : i32
      %dma_wait3A_41 = tpu.memref_slice %arg11[%add3A_14, %dma_wait3A_40] : memref<10240x48xf32, #tpu.memory_space<vmem_shared>> -> memref<128x48xf32, #tpu.memory_space<vmem_shared>>
      tpu.wait_dma2 semaphore(%run_scoped3A : memref<!tpu.dma_semaphore, #tpu.memory_space<semaphore_mem>>) src(%arg10 : memref<128x48xf32, #tpu.memory_space<vmem>>) dst(%dma_wait3A_41 : memref<128x48xf32, #tpu.memory_space<vmem_shared>>)
      tpu.yield
    }) : () -> ()
    %add3A_15 = arith.constant 384 : i32
    %add3A_16 = arith.addi %mul3A_8, %add3A_15 : i32
    "tpu.region"() ({
      %run_scoped3A = tpu.sem_alloc : memref<!tpu.dma_semaphore, #tpu.memory_space<semaphore_mem>>
      %dma_start3A_35 = arith.constant 0 : i32
      %dma_start3A_36 = tpu.memref_slice %arg11[%add3A_16, %dma_start3A_35] : memref<10240x48xf32, #tpu.memory_space<vmem_shared>> -> memref<128x48xf32, #tpu.memory_space<vmem_shared>>
      %dma_start3A_37 = arith.constant 0 : i32
      %dma_start3A_38 = tpu.memref_slice %arg11[%add3A_16, %dma_start3A_37] : memref<10240x48xf32, #tpu.memory_space<vmem_shared>> -> memref<128x48xf32, #tpu.memory_space<vmem_shared>>
      tpu.enqueue_dma source(%arg10 : memref<128x48xf32, #tpu.memory_space<vmem>>) target(%dma_start3A_38 : memref<128x48xf32, #tpu.memory_space<vmem_shared>>) target_semaphore(%run_scoped3A : memref<!tpu.dma_semaphore, #tpu.memory_space<semaphore_mem>>)
      %dma_wait3A = arith.constant 0 : i32
      %dma_wait3A_39 = tpu.memref_slice %arg11[%add3A_16, %dma_wait3A] : memref<10240x48xf32, #tpu.memory_space<vmem_shared>> -> memref<128x48xf32, #tpu.memory_space<vmem_shared>>
      %dma_wait3A_40 = arith.constant 0 : i32
      %dma_wait3A_41 = tpu.memref_slice %arg11[%add3A_16, %dma_wait3A_40] : memref<10240x48xf32, #tpu.memory_space<vmem_shared>> -> memref<128x48xf32, #tpu.memory_space<vmem_shared>>
      tpu.wait_dma2 semaphore(%run_scoped3A : memref<!tpu.dma_semaphore, #tpu.memory_space<semaphore_mem>>) src(%arg10 : memref<128x48xf32, #tpu.memory_space<vmem>>) dst(%dma_wait3A_41 : memref<128x48xf32, #tpu.memory_space<vmem_shared>>)
      tpu.yield
    }) : () -> ()
    %add3A_17 = arith.constant 512 : i32
    %add3A_18 = arith.addi %mul3A_8, %add3A_17 : i32
    "tpu.region"() ({
      %run_scoped3A = tpu.sem_alloc : memref<!tpu.dma_semaphore, #tpu.memory_space<semaphore_mem>>
      %dma_start3A_35 = arith.constant 0 : i32
      %dma_start3A_36 = tpu.memref_slice %arg11[%add3A_18, %dma_start3A_35] : memref<10240x48xf32, #tpu.memory_space<vmem_shared>> -> memref<128x48xf32, #tpu.memory_space<vmem_shared>>
      %dma_start3A_37 = arith.constant 0 : i32
      %dma_start3A_38 = tpu.memref_slice %arg11[%add3A_18, %dma_start3A_37] : memref<10240x48xf32, #tpu.memory_space<vmem_shared>> -> memref<128x48xf32, #tpu.memory_space<vmem_shared>>
      tpu.enqueue_dma source(%arg10 : memref<128x48xf32, #tpu.memory_space<vmem>>) target(%dma_start3A_38 : memref<128x48xf32, #tpu.memory_space<vmem_shared>>) target_semaphore(%run_scoped3A : memref<!tpu.dma_semaphore, #tpu.memory_space<semaphore_mem>>)
      %dma_wait3A = arith.constant 0 : i32
      %dma_wait3A_39 = tpu.memref_slice %arg11[%add3A_18, %dma_wait3A] : memref<10240x48xf32, #tpu.memory_space<vmem_shared>> -> memref<128x48xf32, #tpu.memory_space<vmem_shared>>
      %dma_wait3A_40 = arith.constant 0 : i32
      %dma_wait3A_41 = tpu.memref_slice %arg11[%add3A_18, %dma_wait3A_40] : memref<10240x48xf32, #tpu.memory_space<vmem_shared>> -> memref<128x48xf32, #tpu.memory_space<vmem_shared>>
      tpu.wait_dma2 semaphore(%run_scoped3A : memref<!tpu.dma_semaphore, #tpu.memory_space<semaphore_mem>>) src(%arg10 : memref<128x48xf32, #tpu.memory_space<vmem>>) dst(%dma_wait3A_41 : memref<128x48xf32, #tpu.memory_space<vmem_shared>>)
      tpu.yield
    }) : () -> ()
    "tpu.region"() ({
      %run_scoped3A = tpu.sem_alloc : memref<!tpu.dma_semaphore, #tpu.memory_space<semaphore_mem>>
      %dma_start3A_35 = arith.constant 0 : i32
      %dma_start3A_36 = arith.constant 0 : i32
      %dma_start3A_37 = tpu.memref_slice %arg3[%add3A, %dma_start3A_35, %dma_start3A_36] : memref<32x16x640xi32, #tpu.memory_space<hbm>> -> memref<1x16x640xi32, #tpu.memory_space<hbm>>
      %dma_start3A_38 = tpu.memref_squeeze %dma_start3A_37 : memref<1x16x640xi32, #tpu.memory_space<hbm>> -> memref<16x640xi32, #tpu.memory_space<hbm>>
      %dma_start3A_39 = arith.constant 0 : i32
      %dma_start3A_40 = arith.constant 0 : i32
      %dma_start3A_41 = tpu.memref_slice %arg3[%add3A, %dma_start3A_39, %dma_start3A_40] : memref<32x16x640xi32, #tpu.memory_space<hbm>> -> memref<1x16x640xi32, #tpu.memory_space<hbm>>
      %dma_start3A_42 = tpu.memref_squeeze %dma_start3A_41 : memref<1x16x640xi32, #tpu.memory_space<hbm>> -> memref<16x640xi32, #tpu.memory_space<hbm>>
      tpu.enqueue_dma source(%dma_start3A_42 : memref<16x640xi32, #tpu.memory_space<hbm>>) target(%arg6 : memref<16x640xi32, #tpu.memory_space<vmem>>) target_semaphore(%run_scoped3A : memref<!tpu.dma_semaphore, #tpu.memory_space<semaphore_mem>>)
      %dma_wait3A = arith.constant 0 : i32
      %dma_wait3A_43 = arith.constant 0 : i32
      %dma_wait3A_44 = tpu.memref_slice %arg3[%add3A, %dma_wait3A, %dma_wait3A_43] : memref<32x16x640xi32, #tpu.memory_space<hbm>> -> memref<1x16x640xi32, #tpu.memory_space<hbm>>
      %dma_wait3A_45 = tpu.memref_squeeze %dma_wait3A_44 : memref<1x16x640xi32, #tpu.memory_space<hbm>> -> memref<16x640xi32, #tpu.memory_space<hbm>>
      %dma_wait3A_46 = arith.constant 0 : i32
      %dma_wait3A_47 = arith.constant 0 : i32
      %dma_wait3A_48 = tpu.memref_slice %arg3[%add3A, %dma_wait3A_46, %dma_wait3A_47] : memref<32x16x640xi32, #tpu.memory_space<hbm>> -> memref<1x16x640xi32, #tpu.memory_space<hbm>>
      %dma_wait3A_49 = tpu.memref_squeeze %dma_wait3A_48 : memref<1x16x640xi32, #tpu.memory_space<hbm>> -> memref<16x640xi32, #tpu.memory_space<hbm>>
      tpu.wait_dma2 semaphore(%run_scoped3A : memref<!tpu.dma_semaphore, #tpu.memory_space<semaphore_mem>>) src(%dma_wait3A_49 : memref<16x640xi32, #tpu.memory_space<hbm>>) dst(%arg6 : memref<16x640xi32, #tpu.memory_space<vmem>>)
      tpu.yield
    }) : () -> ()
    "tpu.region"() ({
      %run_scoped3A = tpu.sem_alloc : memref<!tpu.dma_semaphore, #tpu.memory_space<semaphore_mem>>
      %dma_start3A_35 = arith.constant 0 : i32
      %dma_start3A_36 = arith.constant 0 : i32
      %dma_start3A_37 = tpu.memref_slice %arg4[%add3A, %dma_start3A_35, %dma_start3A_36] : memref<32x16x640xi32, #tpu.memory_space<hbm>> -> memref<1x16x640xi32, #tpu.memory_space<hbm>>
      %dma_start3A_38 = tpu.memref_squeeze %dma_start3A_37 : memref<1x16x640xi32, #tpu.memory_space<hbm>> -> memref<16x640xi32, #tpu.memory_space<hbm>>
      %dma_start3A_39 = arith.constant 0 : i32
      %dma_start3A_40 = arith.constant 0 : i32
      %dma_start3A_41 = tpu.memref_slice %arg4[%add3A, %dma_start3A_39, %dma_start3A_40] : memref<32x16x640xi32, #tpu.memory_space<hbm>> -> memref<1x16x640xi32, #tpu.memory_space<hbm>>
      %dma_start3A_42 = tpu.memref_squeeze %dma_start3A_41 : memref<1x16x640xi32, #tpu.memory_space<hbm>> -> memref<16x640xi32, #tpu.memory_space<hbm>>
      tpu.enqueue_dma source(%dma_start3A_42 : memref<16x640xi32, #tpu.memory_space<hbm>>) target(%arg7 : memref<16x640xi32, #tpu.memory_space<vmem>>) target_semaphore(%run_scoped3A : memref<!tpu.dma_semaphore, #tpu.memory_space<semaphore_mem>>)
      %dma_wait3A = arith.constant 0 : i32
      %dma_wait3A_43 = arith.constant 0 : i32
      %dma_wait3A_44 = tpu.memref_slice %arg4[%add3A, %dma_wait3A, %dma_wait3A_43] : memref<32x16x640xi32, #tpu.memory_space<hbm>> -> memref<1x16x640xi32, #tpu.memory_space<hbm>>
      %dma_wait3A_45 = tpu.memref_squeeze %dma_wait3A_44 : memref<1x16x640xi32, #tpu.memory_space<hbm>> -> memref<16x640xi32, #tpu.memory_space<hbm>>
      %dma_wait3A_46 = arith.constant 0 : i32
      %dma_wait3A_47 = arith.constant 0 : i32
      %dma_wait3A_48 = tpu.memref_slice %arg4[%add3A, %dma_wait3A_46, %dma_wait3A_47] : memref<32x16x640xi32, #tpu.memory_space<hbm>> -> memref<1x16x640xi32, #tpu.memory_space<hbm>>
      %dma_wait3A_49 = tpu.memref_squeeze %dma_wait3A_48 : memref<1x16x640xi32, #tpu.memory_space<hbm>> -> memref<16x640xi32, #tpu.memory_space<hbm>>
      tpu.wait_dma2 semaphore(%run_scoped3A : memref<!tpu.dma_semaphore, #tpu.memory_space<semaphore_mem>>) src(%dma_wait3A_49 : memref<16x640xi32, #tpu.memory_space<hbm>>) dst(%arg7 : memref<16x640xi32, #tpu.memory_space<vmem>>)
      tpu.yield
    }) : () -> ()
    %barrier3A = arith.constant 0 : index
    tpu.barrier barrier_id(%barrier3A)
    %dma_start3A = arith.constant 0 : i32
    %dma_start3A_19 = arith.constant 0 : i32
    %dma_start3A_20 = tpu.memref_slice %arg6[%dma_start3A, %dma_start3A_19] : memref<16x640xi32, #tpu.memory_space<vmem>> -> memref<1x640xi32, #tpu.memory_space<vmem>>
    %dma_start3A_21 = tpu.memref_squeeze %dma_start3A_20 : memref<1x640xi32, #tpu.memory_space<vmem>> -> memref<640xi32, #tpu.memory_space<vmem>>
    %dma_start3A_22 = arith.constant 0 : i32
    %dma_start3A_23 = arith.constant 0 : i32
    %dma_start3A_24 = tpu.memref_slice %arg2[%dma_start3A_22, %dma_start3A_23] : memref<10000x48xf32, #tpu.memory_space<hbm>> -> memref<10000x48xf32, #tpu.memory_space<hbm>>
    tpu.enqueue_indirect_dma source(%dma_start3A_24 : memref<10000x48xf32, #tpu.memory_space<hbm>>) target(%arg8 : memref<640x48xf32, #tpu.memory_space<vmem>>) offsets(%dma_start3A_21 : memref<640xi32, #tpu.memory_space<vmem>>) semaphore(%arg12 : memref<!tpu.dma_semaphore, #tpu.memory_space<semaphore_mem>>)
    %scan3A_25 = arith.constant 0 : i32
    %scan3A_26 = arith.constant 0 : i32
    %scan3A_27 = arith.constant 8 : i32
    %scan3A_28 = arith.addi %scan3A_26, %scan3A_27 : i32
    %scan3A_29 = arith.constant 1 : i32
    scf.for %scan3A_35 = %scan3A_26 to %scan3A_28 step %scan3A_29  : i32 {
      %mul3A_36 = arith.constant 2 : i32
      %mul3A_37 = arith.muli %scan3A_35, %mul3A_36 : i32
      %add3A_38 = arith.constant 1 : i32
      %add3A_39 = arith.addi %mul3A_37, %add3A_38 : i32
      %dma_start3A_40 = arith.constant 0 : i32
      %dma_start3A_41 = tpu.memref_slice %arg6[%add3A_39, %dma_start3A_40] : memref<16x640xi32, #tpu.memory_space<vmem>> -> memref<1x640xi32, #tpu.memory_space<vmem>>
      %dma_start3A_42 = tpu.memref_squeeze %dma_start3A_41 : memref<1x640xi32, #tpu.memory_space<vmem>> -> memref<640xi32, #tpu.memory_space<vmem>>
      %dma_start3A_43 = arith.constant 0 : i32
      %dma_start3A_44 = arith.constant 0 : i32
      %dma_start3A_45 = tpu.memref_slice %arg2[%dma_start3A_43, %dma_start3A_44] : memref<10000x48xf32, #tpu.memory_space<hbm>> -> memref<10000x48xf32, #tpu.memory_space<hbm>>
      tpu.enqueue_indirect_dma source(%dma_start3A_45 : memref<10000x48xf32, #tpu.memory_space<hbm>>) target(%arg9 : memref<640x48xf32, #tpu.memory_space<vmem>>) offsets(%dma_start3A_42 : memref<640xi32, #tpu.memory_space<vmem>>) semaphore(%arg13 : memref<!tpu.dma_semaphore, #tpu.memory_space<semaphore_mem>>)
      %dma_wait3A = arith.constant 0 : i32
      %dma_wait3A_46 = tpu.memref_slice %arg6[%mul3A_37, %dma_wait3A] : memref<16x640xi32, #tpu.memory_space<vmem>> -> memref<1x640xi32, #tpu.memory_space<vmem>>
      %dma_wait3A_47 = tpu.memref_squeeze %dma_wait3A_46 : memref<1x640xi32, #tpu.memory_space<vmem>> -> memref<640xi32, #tpu.memory_space<vmem>>
      %dma_wait3A_48 = arith.constant 0 : i32
      %dma_wait3A_49 = arith.constant 0 : i32
      %dma_wait3A_50 = tpu.memref_slice %arg2[%dma_wait3A_48, %dma_wait3A_49] : memref<10000x48xf32, #tpu.memory_space<hbm>> -> memref<10000x48xf32, #tpu.memory_space<hbm>>
      tpu.wait_indirect_dma semaphore(%arg12 : memref<!tpu.dma_semaphore, #tpu.memory_space<semaphore_mem>>) src(%dma_wait3A_50 : memref<10000x48xf32, #tpu.memory_space<hbm>>) dst(%arg8 : memref<640x48xf32, #tpu.memory_space<vmem>>)
      "tpu.region"() ({
        %run_scoped3A = tpu.sem_alloc : memref<!tpu.dma_semaphore, #tpu.memory_space<semaphore_mem>>
        %dma_start3A_65 = arith.constant 0 : i32
        %dma_start3A_66 = tpu.memref_slice %arg7[%mul3A_37, %dma_start3A_65] : memref<16x640xi32, #tpu.memory_space<vmem>> -> memref<1x640xi32, #tpu.memory_space<vmem>>
        %dma_start3A_67 = tpu.memref_squeeze %dma_start3A_66 : memref<1x640xi32, #tpu.memory_space<vmem>> -> memref<640xi32, #tpu.memory_space<vmem>>
        %dma_start3A_68 = arith.constant 0 : i32
        %dma_start3A_69 = arith.constant 0 : i32
        %dma_start3A_70 = tpu.memref_slice %arg11[%dma_start3A_68, %dma_start3A_69] : memref<10240x48xf32, #tpu.memory_space<vmem_shared>> -> memref<10240x48xf32, #tpu.memory_space<vmem_shared>>
        tpu.enqueue_indirect_dma source(%arg8 : memref<640x48xf32, #tpu.memory_space<vmem>>) target(%dma_start3A_70 : memref<10240x48xf32, #tpu.memory_space<vmem_shared>>) offsets(%dma_start3A_67 : memref<640xi32, #tpu.memory_space<vmem>>) semaphore(%run_scoped3A : memref<!tpu.dma_semaphore, #tpu.memory_space<semaphore_mem>>) {add = true}
        %dma_wait3A_71 = arith.constant 0 : i32
        %dma_wait3A_72 = tpu.memref_slice %arg7[%mul3A_37, %dma_wait3A_71] : memref<16x640xi32, #tpu.memory_space<vmem>> -> memref<1x640xi32, #tpu.memory_space<vmem>>
        %dma_wait3A_73 = tpu.memref_squeeze %dma_wait3A_72 : memref<1x640xi32, #tpu.memory_space<vmem>> -> memref<640xi32, #tpu.memory_space<vmem>>
        %dma_wait3A_74 = arith.constant 0 : i32
        %dma_wait3A_75 = arith.constant 0 : i32
        %dma_wait3A_76 = tpu.memref_slice %arg11[%dma_wait3A_74, %dma_wait3A_75] : memref<10240x48xf32, #tpu.memory_space<vmem_shared>> -> memref<10240x48xf32, #tpu.memory_space<vmem_shared>>
        tpu.wait_indirect_dma semaphore(%run_scoped3A : memref<!tpu.dma_semaphore, #tpu.memory_space<semaphore_mem>>) src(%arg8 : memref<640x48xf32, #tpu.memory_space<vmem>>) dst(%dma_wait3A_76 : memref<10240x48xf32, #tpu.memory_space<vmem_shared>>)
        tpu.yield
      }) : () -> ()
      %add3A_51 = arith.constant 2 : i32
      %add3A_52 = arith.addi %mul3A_37, %add3A_51 : i32
      %lt3A = arith.constant 16 : i32
      %lt3A_53 = arith.cmpi slt, %add3A_52, %lt3A : i32
      %convert_element_type3A = arith.extui %lt3A_53 : i1 to i32
      %cond3A = arith.constant 0 : i32
      %cond3A_54 = arith.cmpi ne, %convert_element_type3A, %cond3A : i32
      scf.if %cond3A_54 {
        %add3A_65 = arith.constant 2 : i32
        %add3A_66 = arith.addi %mul3A_37, %add3A_65 : i32
        %dma_start3A_67 = arith.constant 0 : i32
        %dma_start3A_68 = tpu.memref_slice %arg6[%add3A_66, %dma_start3A_67] : memref<16x640xi32, #tpu.memory_space<vmem>> -> memref<1x640xi32, #tpu.memory_space<vmem>>
        %dma_start3A_69 = tpu.memref_squeeze %dma_start3A_68 : memref<1x640xi32, #tpu.memory_space<vmem>> -> memref<640xi32, #tpu.memory_space<vmem>>
        %dma_start3A_70 = arith.constant 0 : i32
        %dma_start3A_71 = arith.constant 0 : i32
        %dma_start3A_72 = tpu.memref_slice %arg2[%dma_start3A_70, %dma_start3A_71] : memref<10000x48xf32, #tpu.memory_space<hbm>> -> memref<10000x48xf32, #tpu.memory_space<hbm>>
        tpu.enqueue_indirect_dma source(%dma_start3A_72 : memref<10000x48xf32, #tpu.memory_space<hbm>>) target(%arg8 : memref<640x48xf32, #tpu.memory_space<vmem>>) offsets(%dma_start3A_69 : memref<640xi32, #tpu.memory_space<vmem>>) semaphore(%arg12 : memref<!tpu.dma_semaphore, #tpu.memory_space<semaphore_mem>>)
      } else {
      }
      %add3A_55 = arith.constant 1 : i32
      %add3A_56 = arith.addi %mul3A_37, %add3A_55 : i32
      %dma_wait3A_57 = arith.constant 0 : i32
      %dma_wait3A_58 = tpu.memref_slice %arg6[%add3A_56, %dma_wait3A_57] : memref<16x640xi32, #tpu.memory_space<vmem>> -> memref<1x640xi32, #tpu.memory_space<vmem>>
      %dma_wait3A_59 = tpu.memref_squeeze %dma_wait3A_58 : memref<1x640xi32, #tpu.memory_space<vmem>> -> memref<640xi32, #tpu.memory_space<vmem>>
      %dma_wait3A_60 = arith.constant 0 : i32
      %dma_wait3A_61 = arith.constant 0 : i32
      %dma_wait3A_62 = tpu.memref_slice %arg2[%dma_wait3A_60, %dma_wait3A_61] : memref<10000x48xf32, #tpu.memory_space<hbm>> -> memref<10000x48xf32, #tpu.memory_space<hbm>>
      tpu.wait_indirect_dma semaphore(%arg13 : memref<!tpu.dma_semaphore, #tpu.memory_space<semaphore_mem>>) src(%dma_wait3A_62 : memref<10000x48xf32, #tpu.memory_space<hbm>>) dst(%arg9 : memref<640x48xf32, #tpu.memory_space<vmem>>)
      %add3A_63 = arith.constant 1 : i32
      %add3A_64 = arith.addi %mul3A_37, %add3A_63 : i32
      "tpu.region"() ({
        %run_scoped3A = tpu.sem_alloc : memref<!tpu.dma_semaphore, #tpu.memory_space<semaphore_mem>>
        %dma_start3A_65 = arith.constant 0 : i32
        %dma_start3A_66 = tpu.memref_slice %arg7[%add3A_64, %dma_start3A_65] : memref<16x640xi32, #tpu.memory_space<vmem>> -> memref<1x640xi32, #tpu.memory_space<vmem>>
        %dma_start3A_67 = tpu.memref_squeeze %dma_start3A_66 : memref<1x640xi32, #tpu.memory_space<vmem>> -> memref<640xi32, #tpu.memory_space<vmem>>
        %dma_start3A_68 = arith.constant 0 : i32
        %dma_start3A_69 = arith.constant 0 : i32
        %dma_start3A_70 = tpu.memref_slice %arg11[%dma_start3A_68, %dma_start3A_69] : memref<10240x48xf32, #tpu.memory_space<vmem_shared>> -> memref<10240x48xf32, #tpu.memory_space<vmem_shared>>
        tpu.enqueue_indirect_dma source(%arg9 : memref<640x48xf32, #tpu.memory_space<vmem>>) target(%dma_start3A_70 : memref<10240x48xf32, #tpu.memory_space<vmem_shared>>) offsets(%dma_start3A_67 : memref<640xi32, #tpu.memory_space<vmem>>) semaphore(%run_scoped3A : memref<!tpu.dma_semaphore, #tpu.memory_space<semaphore_mem>>) {add = true}
        %dma_wait3A_71 = arith.constant 0 : i32
        %dma_wait3A_72 = tpu.memref_slice %arg7[%add3A_64, %dma_wait3A_71] : memref<16x640xi32, #tpu.memory_space<vmem>> -> memref<1x640xi32, #tpu.memory_space<vmem>>
        %dma_wait3A_73 = tpu.memref_squeeze %dma_wait3A_72 : memref<1x640xi32, #tpu.memory_space<vmem>> -> memref<640xi32, #tpu.memory_space<vmem>>
        %dma_wait3A_74 = arith.constant 0 : i32
        %dma_wait3A_75 = arith.constant 0 : i32
        %dma_wait3A_76 = tpu.memref_slice %arg11[%dma_wait3A_74, %dma_wait3A_75] : memref<10240x48xf32, #tpu.memory_space<vmem_shared>> -> memref<10240x48xf32, #tpu.memory_space<vmem_shared>>
        tpu.wait_indirect_dma semaphore(%run_scoped3A : memref<!tpu.dma_semaphore, #tpu.memory_space<semaphore_mem>>) src(%arg9 : memref<640x48xf32, #tpu.memory_space<vmem>>) dst(%dma_wait3A_76 : memref<10240x48xf32, #tpu.memory_space<vmem_shared>>)
        tpu.yield
      }) : () -> ()
    }
    %scan3A_30 = arith.constant 8 : i32
    %barrier3A_31 = arith.constant 0 : index
    tpu.barrier barrier_id(%barrier3A_31)
    %mul3A_32 = arith.constant 10240 : i32
    %mul3A_33 = arith.muli %arg0, %mul3A_32 : i32
    %add3A_34 = arith.addi %mul3A_33, %mul3A_8 : i32
    "tpu.region"() ({
      %run_scoped3A = tpu.sem_alloc : memref<!tpu.dma_semaphore, #tpu.memory_space<semaphore_mem>>
      %dma_start3A_35 = arith.constant 0 : i32
      %dma_start3A_36 = tpu.memref_slice %arg5[%add3A_34, %dma_start3A_35] : memref<20480x48xf32, #tpu.memory_space<hbm>> -> memref<640x48xf32, #tpu.memory_space<hbm>>
      %dma_start3A_37 = arith.constant 0 : i32
      %dma_start3A_38 = tpu.memref_slice %arg11[%mul3A_8, %dma_start3A_37] : memref<10240x48xf32, #tpu.memory_space<vmem_shared>> -> memref<640x48xf32, #tpu.memory_space<vmem_shared>>
      tpu.enqueue_dma source(%dma_start3A_38 : memref<640x48xf32, #tpu.memory_space<vmem_shared>>) target(%dma_start3A_36 : memref<640x48xf32, #tpu.memory_space<hbm>>) target_semaphore(%run_scoped3A : memref<!tpu.dma_semaphore, #tpu.memory_space<semaphore_mem>>)
      %dma_wait3A = arith.constant 0 : i32
      %dma_wait3A_39 = tpu.memref_slice %arg5[%add3A_34, %dma_wait3A] : memref<20480x48xf32, #tpu.memory_space<hbm>> -> memref<640x48xf32, #tpu.memory_space<hbm>>
      %dma_wait3A_40 = arith.constant 0 : i32
      %dma_wait3A_41 = tpu.memref_slice %arg11[%mul3A_8, %dma_wait3A_40] : memref<10240x48xf32, #tpu.memory_space<vmem_shared>> -> memref<640x48xf32, #tpu.memory_space<vmem_shared>>
      tpu.wait_dma2 semaphore(%run_scoped3A : memref<!tpu.dma_semaphore, #tpu.memory_space<semaphore_mem>>) src(%dma_wait3A_41 : memref<640x48xf32, #tpu.memory_space<vmem_shared>>) dst(%dma_wait3A_39 : memref<640x48xf32, #tpu.memory_space<hbm>>)
      tpu.yield
    }) : () -> ()
    return
  }
}

#map = affine_map<(d0, d1) -> (0, 0)>
#map1 = affine_map<(d0, d1) -> (0, 0, 0)>
module attributes {stable_mosaic.version = 14 : i64} {
  func.func @_hop_kernel(%arg0: i32, %arg1: i32, %arg2: memref<10000x48xf32, #tpu.memory_space<hbm>>, %arg3: memref<32x16x640xi32, #tpu.memory_space<hbm>>, %arg4: memref<32x16x640xi32, #tpu.memory_space<hbm>>, %arg5: memref<20480x48xf32, #tpu.memory_space<hbm>>, %arg6: memref<16x640xi32, #tpu.memory_space<vmem>>, %arg7: memref<16x640xi32, #tpu.memory_space<vmem>>, %arg8: memref<640x48xf32, #tpu.memory_space<vmem>>, %arg9: memref<640x48xf32, #tpu.memory_space<vmem>>, %arg10: memref<128x48xf32, #tpu.memory_space<vmem>>, %arg11: memref<10240x48xf32, #tpu.memory_space<vmem_shared>>, %arg12: memref<!tpu.dma_semaphore, #tpu.memory_space<semaphore_mem>>, %arg13: memref<!tpu.dma_semaphore, #tpu.memory_space<semaphore_mem>>) attributes {dimension_semantics = [#tpu.dimension_semantics<core_parallel>, #tpu.dimension_semantics<subcore_parallel>], iteration_bounds = array<i64: 2, 16>, scalar_prefetch = 0 : i64, scratch_operands = 8 : i64, tpu.core_type = #tpu.core_type<sc_vector_subcore>, window_params = [{transform_indices = #map}, {transform_indices = #map1}, {transform_indices = #map1}, {transform_indices = #map}]} {
    %mul3A = arith.constant 16 : i32
    %mul3A_0 = arith.muli %arg0, %mul3A : i32
    %add3A = arith.addi %mul3A_0, %arg1 : i32
    %broadcast_in_dim3A = arith.constant 0.000000e+00 : f32
    %broadcast_in_dim3A_1 = vector.broadcast %broadcast_in_dim3A : f32 to vector<16xf32>
    %scan3A = arith.constant 0 : i32
    %scan3A_2 = arith.constant 0 : i32
    %scan3A_3 = arith.constant 128 : i32
    %scan3A_4 = arith.addi %scan3A_2, %scan3A_3 : i32
    %scan3A_5 = arith.constant 1 : i32
    scf.for %scan3A_35 = %scan3A_2 to %scan3A_4 step %scan3A_5  : i32 {
      %swap3A = arith.index_cast %scan3A_35 : i32 to index
      %swap3A_36 = arith.constant 0 : index
      %swap3A_37 = tpu.vector_load %arg10[%swap3A, %swap3A_36] {strides = array<i32>} : memref<128x48xf32, #tpu.memory_space<vmem>>, vector<16xf32>,
      tpu.vector_store %arg10[%swap3A, %swap3A_36], %broadcast_in_dim3A_1 {strides = array<i32>} : memref<128x48xf32, #tpu.memory_space<vmem>>, vector<16xf32>,
      %swap3A_38 = arith.index_cast %scan3A_35 : i32 to index
      %swap3A_39 = arith.constant 16 : index
      %swap3A_40 = tpu.vector_load %arg10[%swap3A_38, %swap3A_39] {strides = array<i32>} : memref<128x48xf32, #tpu.memory_space<vmem>>, vector<16xf32>,
      tpu.vector_store %arg10[%swap3A_38, %swap3A_39], %broadcast_in_dim3A_1 {strides = array<i32>} : memref<128x48xf32, #tpu.memory_space<vmem>>, vector<16xf32>,
      %swap3A_41 = arith.index_cast %scan3A_35 : i32 to index
      %swap3A_42 = arith.constant 32 : index
      %swap3A_43 = tpu.vector_load %arg10[%swap3A_41, %swap3A_42] {strides = array<i32>} : memref<128x48xf32, #tpu.memory_space<vmem>>, vector<16xf32>,
      tpu.vector_store %arg10[%swap3A_41, %swap3A_42], %broadcast_in_dim3A_1 {strides = array<i32>} : memref<128x48xf32, #tpu.memory_space<vmem>>, vector<16xf32>,
    }
    %scan3A_6 = arith.constant 128 : i32
    %mul3A_7 = arith.constant 640 : i32
    %mul3A_8 = arith.muli %arg1, %mul3A_7 : i32
    %add3A_9 = arith.constant 0 : i32
    %add3A_10 = arith.addi %mul3A_8, %add3A_9 : i32
    "tpu.region"() ({
      %run_scoped3A = tpu.sem_alloc : memref<!tpu.dma_semaphore, #tpu.memory_space<semaphore_mem>>
      %dma_start3A_35 = arith.constant 0 : i32
      %dma_start3A_36 = tpu.memref_slice %arg11[%add3A_10, %dma_start3A_35] : memref<10240x48xf32, #tpu.memory_space<vmem_shared>> -> memref<128x48xf32, #tpu.memory_space<vmem_shared>>
      %dma_start3A_37 = arith.constant 0 : i32
      %dma_start3A_38 = tpu.memref_slice %arg11[%add3A_10, %dma_start3A_37] : memref<10240x48xf32, #tpu.memory_space<vmem_shared>> -> memref<128x48xf32, #tpu.memory_space<vmem_shared>>
      tpu.enqueue_dma source(%arg10 : memref<128x48xf32, #tpu.memory_space<vmem>>) target(%dma_start3A_38 : memref<128x48xf32, #tpu.memory_space<vmem_shared>>) target_semaphore(%run_scoped3A : memref<!tpu.dma_semaphore, #tpu.memory_space<semaphore_mem>>)
      %dma_wait3A = arith.constant 0 : i32
      %dma_wait3A_39 = tpu.memref_slice %arg11[%add3A_10, %dma_wait3A] : memref<10240x48xf32, #tpu.memory_space<vmem_shared>> -> memref<128x48xf32, #tpu.memory_space<vmem_shared>>
      %dma_wait3A_40 = arith.constant 0 : i32
      %dma_wait3A_41 = tpu.memref_slice %arg11[%add3A_10, %dma_wait3A_40] : memref<10240x48xf32, #tpu.memory_space<vmem_shared>> -> memref<128x48xf32, #tpu.memory_space<vmem_shared>>
      tpu.wait_dma2 semaphore(%run_scoped3A : memref<!tpu.dma_semaphore, #tpu.memory_space<semaphore_mem>>) src(%arg10 : memref<128x48xf32, #tpu.memory_space<vmem>>) dst(%dma_wait3A_41 : memref<128x48xf32, #tpu.memory_space<vmem_shared>>)
      tpu.yield
    }) : () -> ()
    %add3A_11 = arith.constant 128 : i32
    %add3A_12 = arith.addi %mul3A_8, %add3A_11 : i32
    "tpu.region"() ({
      %run_scoped3A = tpu.sem_alloc : memref<!tpu.dma_semaphore, #tpu.memory_space<semaphore_mem>>
      %dma_start3A_35 = arith.constant 0 : i32
      %dma_start3A_36 = tpu.memref_slice %arg11[%add3A_12, %dma_start3A_35] : memref<10240x48xf32, #tpu.memory_space<vmem_shared>> -> memref<128x48xf32, #tpu.memory_space<vmem_shared>>
      %dma_start3A_37 = arith.constant 0 : i32
      %dma_start3A_38 = tpu.memref_slice %arg11[%add3A_12, %dma_start3A_37] : memref<10240x48xf32, #tpu.memory_space<vmem_shared>> -> memref<128x48xf32, #tpu.memory_space<vmem_shared>>
      tpu.enqueue_dma source(%arg10 : memref<128x48xf32, #tpu.memory_space<vmem>>) target(%dma_start3A_38 : memref<128x48xf32, #tpu.memory_space<vmem_shared>>) target_semaphore(%run_scoped3A : memref<!tpu.dma_semaphore, #tpu.memory_space<semaphore_mem>>)
      %dma_wait3A = arith.constant 0 : i32
      %dma_wait3A_39 = tpu.memref_slice %arg11[%add3A_12, %dma_wait3A] : memref<10240x48xf32, #tpu.memory_space<vmem_shared>> -> memref<128x48xf32, #tpu.memory_space<vmem_shared>>
      %dma_wait3A_40 = arith.constant 0 : i32
      %dma_wait3A_41 = tpu.memref_slice %arg11[%add3A_12, %dma_wait3A_40] : memref<10240x48xf32, #tpu.memory_space<vmem_shared>> -> memref<128x48xf32, #tpu.memory_space<vmem_shared>>
      tpu.wait_dma2 semaphore(%run_scoped3A : memref<!tpu.dma_semaphore, #tpu.memory_space<semaphore_mem>>) src(%arg10 : memref<128x48xf32, #tpu.memory_space<vmem>>) dst(%dma_wait3A_41 : memref<128x48xf32, #tpu.memory_space<vmem_shared>>)
      tpu.yield
    }) : () -> ()
    %add3A_13 = arith.constant 256 : i32
    %add3A_14 = arith.addi %mul3A_8, %add3A_13 : i32
    "tpu.region"() ({
      %run_scoped3A = tpu.sem_alloc : memref<!tpu.dma_semaphore, #tpu.memory_space<semaphore_mem>>
      %dma_start3A_35 = arith.constant 0 : i32
      %dma_start3A_36 = tpu.memref_slice %arg11[%add3A_14, %dma_start3A_35] : memref<10240x48xf32, #tpu.memory_space<vmem_shared>> -> memref<128x48xf32, #tpu.memory_space<vmem_shared>>
      %dma_start3A_37 = arith.constant 0 : i32
      %dma_start3A_38 = tpu.memref_slice %arg11[%add3A_14, %dma_start3A_37] : memref<10240x48xf32, #tpu.memory_space<vmem_shared>> -> memref<128x48xf32, #tpu.memory_space<vmem_shared>>
      tpu.enqueue_dma source(%arg10 : memref<128x48xf32, #tpu.memory_space<vmem>>) target(%dma_start3A_38 : memref<128x48xf32, #tpu.memory_space<vmem_shared>>) target_semaphore(%run_scoped3A : memref<!tpu.dma_semaphore, #tpu.memory_space<semaphore_mem>>)
      %dma_wait3A = arith.constant 0 : i32
      %dma_wait3A_39 = tpu.memref_slice %arg11[%add3A_14, %dma_wait3A] : memref<10240x48xf32, #tpu.memory_space<vmem_shared>> -> memref<128x48xf32, #tpu.memory_space<vmem_shared>>
      %dma_wait3A_40 = arith.constant 0 : i32
      %dma_wait3A_41 = tpu.memref_slice %arg11[%add3A_14, %dma_wait3A_40] : memref<10240x48xf32, #tpu.memory_space<vmem_shared>> -> memref<128x48xf32, #tpu.memory_space<vmem_shared>>
      tpu.wait_dma2 semaphore(%run_scoped3A : memref<!tpu.dma_semaphore, #tpu.memory_space<semaphore_mem>>) src(%arg10 : memref<128x48xf32, #tpu.memory_space<vmem>>) dst(%dma_wait3A_41 : memref<128x48xf32, #tpu.memory_space<vmem_shared>>)
      tpu.yield
    }) : () -> ()
    %add3A_15 = arith.constant 384 : i32
    %add3A_16 = arith.addi %mul3A_8, %add3A_15 : i32
    "tpu.region"() ({
      %run_scoped3A = tpu.sem_alloc : memref<!tpu.dma_semaphore, #tpu.memory_space<semaphore_mem>>
      %dma_start3A_35 = arith.constant 0 : i32
      %dma_start3A_36 = tpu.memref_slice %arg11[%add3A_16, %dma_start3A_35] : memref<10240x48xf32, #tpu.memory_space<vmem_shared>> -> memref<128x48xf32, #tpu.memory_space<vmem_shared>>
      %dma_start3A_37 = arith.constant 0 : i32
      %dma_start3A_38 = tpu.memref_slice %arg11[%add3A_16, %dma_start3A_37] : memref<10240x48xf32, #tpu.memory_space<vmem_shared>> -> memref<128x48xf32, #tpu.memory_space<vmem_shared>>
      tpu.enqueue_dma source(%arg10 : memref<128x48xf32, #tpu.memory_space<vmem>>) target(%dma_start3A_38 : memref<128x48xf32, #tpu.memory_space<vmem_shared>>) target_semaphore(%run_scoped3A : memref<!tpu.dma_semaphore, #tpu.memory_space<semaphore_mem>>)
      %dma_wait3A = arith.constant 0 : i32
      %dma_wait3A_39 = tpu.memref_slice %arg11[%add3A_16, %dma_wait3A] : memref<10240x48xf32, #tpu.memory_space<vmem_shared>> -> memref<128x48xf32, #tpu.memory_space<vmem_shared>>
      %dma_wait3A_40 = arith.constant 0 : i32
      %dma_wait3A_41 = tpu.memref_slice %arg11[%add3A_16, %dma_wait3A_40] : memref<10240x48xf32, #tpu.memory_space<vmem_shared>> -> memref<128x48xf32, #tpu.memory_space<vmem_shared>>
      tpu.wait_dma2 semaphore(%run_scoped3A : memref<!tpu.dma_semaphore, #tpu.memory_space<semaphore_mem>>) src(%arg10 : memref<128x48xf32, #tpu.memory_space<vmem>>) dst(%dma_wait3A_41 : memref<128x48xf32, #tpu.memory_space<vmem_shared>>)
      tpu.yield
    }) : () -> ()
    %add3A_17 = arith.constant 512 : i32
    %add3A_18 = arith.addi %mul3A_8, %add3A_17 : i32
    "tpu.region"() ({
      %run_scoped3A = tpu.sem_alloc : memref<!tpu.dma_semaphore, #tpu.memory_space<semaphore_mem>>
      %dma_start3A_35 = arith.constant 0 : i32
      %dma_start3A_36 = tpu.memref_slice %arg11[%add3A_18, %dma_start3A_35] : memref<10240x48xf32, #tpu.memory_space<vmem_shared>> -> memref<128x48xf32, #tpu.memory_space<vmem_shared>>
      %dma_start3A_37 = arith.constant 0 : i32
      %dma_start3A_38 = tpu.memref_slice %arg11[%add3A_18, %dma_start3A_37] : memref<10240x48xf32, #tpu.memory_space<vmem_shared>> -> memref<128x48xf32, #tpu.memory_space<vmem_shared>>
      tpu.enqueue_dma source(%arg10 : memref<128x48xf32, #tpu.memory_space<vmem>>) target(%dma_start3A_38 : memref<128x48xf32, #tpu.memory_space<vmem_shared>>) target_semaphore(%run_scoped3A : memref<!tpu.dma_semaphore, #tpu.memory_space<semaphore_mem>>)
      %dma_wait3A = arith.constant 0 : i32
      %dma_wait3A_39 = tpu.memref_slice %arg11[%add3A_18, %dma_wait3A] : memref<10240x48xf32, #tpu.memory_space<vmem_shared>> -> memref<128x48xf32, #tpu.memory_space<vmem_shared>>
      %dma_wait3A_40 = arith.constant 0 : i32
      %dma_wait3A_41 = tpu.memref_slice %arg11[%add3A_18, %dma_wait3A_40] : memref<10240x48xf32, #tpu.memory_space<vmem_shared>> -> memref<128x48xf32, #tpu.memory_space<vmem_shared>>
      tpu.wait_dma2 semaphore(%run_scoped3A : memref<!tpu.dma_semaphore, #tpu.memory_space<semaphore_mem>>) src(%arg10 : memref<128x48xf32, #tpu.memory_space<vmem>>) dst(%dma_wait3A_41 : memref<128x48xf32, #tpu.memory_space<vmem_shared>>)
      tpu.yield
    }) : () -> ()
    "tpu.region"() ({
      %run_scoped3A = tpu.sem_alloc : memref<!tpu.dma_semaphore, #tpu.memory_space<semaphore_mem>>
      %dma_start3A_35 = arith.constant 0 : i32
      %dma_start3A_36 = arith.constant 0 : i32
      %dma_start3A_37 = tpu.memref_slice %arg3[%add3A, %dma_start3A_35, %dma_start3A_36] : memref<32x16x640xi32, #tpu.memory_space<hbm>> -> memref<1x16x640xi32, #tpu.memory_space<hbm>>
      %dma_start3A_38 = tpu.memref_squeeze %dma_start3A_37 : memref<1x16x640xi32, #tpu.memory_space<hbm>> -> memref<16x640xi32, #tpu.memory_space<hbm>>
      %dma_start3A_39 = arith.constant 0 : i32
      %dma_start3A_40 = arith.constant 0 : i32
      %dma_start3A_41 = tpu.memref_slice %arg3[%add3A, %dma_start3A_39, %dma_start3A_40] : memref<32x16x640xi32, #tpu.memory_space<hbm>> -> memref<1x16x640xi32, #tpu.memory_space<hbm>>
      %dma_start3A_42 = tpu.memref_squeeze %dma_start3A_41 : memref<1x16x640xi32, #tpu.memory_space<hbm>> -> memref<16x640xi32, #tpu.memory_space<hbm>>
      tpu.enqueue_dma source(%dma_start3A_42 : memref<16x640xi32, #tpu.memory_space<hbm>>) target(%arg6 : memref<16x640xi32, #tpu.memory_space<vmem>>) target_semaphore(%run_scoped3A : memref<!tpu.dma_semaphore, #tpu.memory_space<semaphore_mem>>)
      %dma_wait3A = arith.constant 0 : i32
      %dma_wait3A_43 = arith.constant 0 : i32
      %dma_wait3A_44 = tpu.memref_slice %arg3[%add3A, %dma_wait3A, %dma_wait3A_43] : memref<32x16x640xi32, #tpu.memory_space<hbm>> -> memref<1x16x640xi32, #tpu.memory_space<hbm>>
      %dma_wait3A_45 = tpu.memref_squeeze %dma_wait3A_44 : memref<1x16x640xi32, #tpu.memory_space<hbm>> -> memref<16x640xi32, #tpu.memory_space<hbm>>
      %dma_wait3A_46 = arith.constant 0 : i32
      %dma_wait3A_47 = arith.constant 0 : i32
      %dma_wait3A_48 = tpu.memref_slice %arg3[%add3A, %dma_wait3A_46, %dma_wait3A_47] : memref<32x16x640xi32, #tpu.memory_space<hbm>> -> memref<1x16x640xi32, #tpu.memory_space<hbm>>
      %dma_wait3A_49 = tpu.memref_squeeze %dma_wait3A_48 : memref<1x16x640xi32, #tpu.memory_space<hbm>> -> memref<16x640xi32, #tpu.memory_space<hbm>>
      tpu.wait_dma2 semaphore(%run_scoped3A : memref<!tpu.dma_semaphore, #tpu.memory_space<semaphore_mem>>) src(%dma_wait3A_49 : memref<16x640xi32, #tpu.memory_space<hbm>>) dst(%arg6 : memref<16x640xi32, #tpu.memory_space<vmem>>)
      tpu.yield
    }) : () -> ()
    "tpu.region"() ({
      %run_scoped3A = tpu.sem_alloc : memref<!tpu.dma_semaphore, #tpu.memory_space<semaphore_mem>>
      %dma_start3A_35 = arith.constant 0 : i32
      %dma_start3A_36 = arith.constant 0 : i32
      %dma_start3A_37 = tpu.memref_slice %arg4[%add3A, %dma_start3A_35, %dma_start3A_36] : memref<32x16x640xi32, #tpu.memory_space<hbm>> -> memref<1x16x640xi32, #tpu.memory_space<hbm>>
      %dma_start3A_38 = tpu.memref_squeeze %dma_start3A_37 : memref<1x16x640xi32, #tpu.memory_space<hbm>> -> memref<16x640xi32, #tpu.memory_space<hbm>>
      %dma_start3A_39 = arith.constant 0 : i32
      %dma_start3A_40 = arith.constant 0 : i32
      %dma_start3A_41 = tpu.memref_slice %arg4[%add3A, %dma_start3A_39, %dma_start3A_40] : memref<32x16x640xi32, #tpu.memory_space<hbm>> -> memref<1x16x640xi32, #tpu.memory_space<hbm>>
      %dma_start3A_42 = tpu.memref_squeeze %dma_start3A_41 : memref<1x16x640xi32, #tpu.memory_space<hbm>> -> memref<16x640xi32, #tpu.memory_space<hbm>>
      tpu.enqueue_dma source(%dma_start3A_42 : memref<16x640xi32, #tpu.memory_space<hbm>>) target(%arg7 : memref<16x640xi32, #tpu.memory_space<vmem>>) target_semaphore(%run_scoped3A : memref<!tpu.dma_semaphore, #tpu.memory_space<semaphore_mem>>)
      %dma_wait3A = arith.constant 0 : i32
      %dma_wait3A_43 = arith.constant 0 : i32
      %dma_wait3A_44 = tpu.memref_slice %arg4[%add3A, %dma_wait3A, %dma_wait3A_43] : memref<32x16x640xi32, #tpu.memory_space<hbm>> -> memref<1x16x640xi32, #tpu.memory_space<hbm>>
      %dma_wait3A_45 = tpu.memref_squeeze %dma_wait3A_44 : memref<1x16x640xi32, #tpu.memory_space<hbm>> -> memref<16x640xi32, #tpu.memory_space<hbm>>
      %dma_wait3A_46 = arith.constant 0 : i32
      %dma_wait3A_47 = arith.constant 0 : i32
      %dma_wait3A_48 = tpu.memref_slice %arg4[%add3A, %dma_wait3A_46, %dma_wait3A_47] : memref<32x16x640xi32, #tpu.memory_space<hbm>> -> memref<1x16x640xi32, #tpu.memory_space<hbm>>
      %dma_wait3A_49 = tpu.memref_squeeze %dma_wait3A_48 : memref<1x16x640xi32, #tpu.memory_space<hbm>> -> memref<16x640xi32, #tpu.memory_space<hbm>>
      tpu.wait_dma2 semaphore(%run_scoped3A : memref<!tpu.dma_semaphore, #tpu.memory_space<semaphore_mem>>) src(%dma_wait3A_49 : memref<16x640xi32, #tpu.memory_space<hbm>>) dst(%arg7 : memref<16x640xi32, #tpu.memory_space<vmem>>)
      tpu.yield
    }) : () -> ()
    %barrier3A = arith.constant 0 : index
    tpu.barrier barrier_id(%barrier3A)
    %dma_start3A = arith.constant 0 : i32
    %dma_start3A_19 = arith.constant 0 : i32
    %dma_start3A_20 = tpu.memref_slice %arg6[%dma_start3A, %dma_start3A_19] : memref<16x640xi32, #tpu.memory_space<vmem>> -> memref<1x640xi32, #tpu.memory_space<vmem>>
    %dma_start3A_21 = tpu.memref_squeeze %dma_start3A_20 : memref<1x640xi32, #tpu.memory_space<vmem>> -> memref<640xi32, #tpu.memory_space<vmem>>
    %dma_start3A_22 = arith.constant 0 : i32
    %dma_start3A_23 = arith.constant 0 : i32
    %dma_start3A_24 = tpu.memref_slice %arg2[%dma_start3A_22, %dma_start3A_23] : memref<10000x48xf32, #tpu.memory_space<hbm>> -> memref<10000x48xf32, #tpu.memory_space<hbm>>
    tpu.enqueue_indirect_dma source(%dma_start3A_24 : memref<10000x48xf32, #tpu.memory_space<hbm>>) target(%arg8 : memref<640x48xf32, #tpu.memory_space<vmem>>) offsets(%dma_start3A_21 : memref<640xi32, #tpu.memory_space<vmem>>) semaphore(%arg12 : memref<!tpu.dma_semaphore, #tpu.memory_space<semaphore_mem>>)
    %scan3A_25 = arith.constant 0 : i32
    %scan3A_26 = arith.constant 0 : i32
    %scan3A_27 = arith.constant 8 : i32
    %scan3A_28 = arith.addi %scan3A_26, %scan3A_27 : i32
    %scan3A_29 = arith.constant 1 : i32
    scf.for %scan3A_35 = %scan3A_26 to %scan3A_28 step %scan3A_29  : i32 {
      %mul3A_36 = arith.constant 2 : i32
      %mul3A_37 = arith.muli %scan3A_35, %mul3A_36 : i32
      %add3A_38 = arith.constant 1 : i32
      %add3A_39 = arith.addi %mul3A_37, %add3A_38 : i32
      %dma_start3A_40 = arith.constant 0 : i32
      %dma_start3A_41 = tpu.memref_slice %arg6[%add3A_39, %dma_start3A_40] : memref<16x640xi32, #tpu.memory_space<vmem>> -> memref<1x640xi32, #tpu.memory_space<vmem>>
      %dma_start3A_42 = tpu.memref_squeeze %dma_start3A_41 : memref<1x640xi32, #tpu.memory_space<vmem>> -> memref<640xi32, #tpu.memory_space<vmem>>
      %dma_start3A_43 = arith.constant 0 : i32
      %dma_start3A_44 = arith.constant 0 : i32
      %dma_start3A_45 = tpu.memref_slice %arg2[%dma_start3A_43, %dma_start3A_44] : memref<10000x48xf32, #tpu.memory_space<hbm>> -> memref<10000x48xf32, #tpu.memory_space<hbm>>
      tpu.enqueue_indirect_dma source(%dma_start3A_45 : memref<10000x48xf32, #tpu.memory_space<hbm>>) target(%arg9 : memref<640x48xf32, #tpu.memory_space<vmem>>) offsets(%dma_start3A_42 : memref<640xi32, #tpu.memory_space<vmem>>) semaphore(%arg13 : memref<!tpu.dma_semaphore, #tpu.memory_space<semaphore_mem>>)
      %dma_wait3A = arith.constant 0 : i32
      %dma_wait3A_46 = tpu.memref_slice %arg6[%mul3A_37, %dma_wait3A] : memref<16x640xi32, #tpu.memory_space<vmem>> -> memref<1x640xi32, #tpu.memory_space<vmem>>
      %dma_wait3A_47 = tpu.memref_squeeze %dma_wait3A_46 : memref<1x640xi32, #tpu.memory_space<vmem>> -> memref<640xi32, #tpu.memory_space<vmem>>
      %dma_wait3A_48 = arith.constant 0 : i32
      %dma_wait3A_49 = arith.constant 0 : i32
      %dma_wait3A_50 = tpu.memref_slice %arg2[%dma_wait3A_48, %dma_wait3A_49] : memref<10000x48xf32, #tpu.memory_space<hbm>> -> memref<10000x48xf32, #tpu.memory_space<hbm>>
      tpu.wait_indirect_dma semaphore(%arg12 : memref<!tpu.dma_semaphore, #tpu.memory_space<semaphore_mem>>) src(%dma_wait3A_50 : memref<10000x48xf32, #tpu.memory_space<hbm>>) dst(%arg8 : memref<640x48xf32, #tpu.memory_space<vmem>>)
      "tpu.region"() ({
        %run_scoped3A = tpu.sem_alloc : memref<!tpu.dma_semaphore, #tpu.memory_space<semaphore_mem>>
        %dma_start3A_65 = arith.constant 0 : i32
        %dma_start3A_66 = tpu.memref_slice %arg7[%mul3A_37, %dma_start3A_65] : memref<16x640xi32, #tpu.memory_space<vmem>> -> memref<1x640xi32, #tpu.memory_space<vmem>>
        %dma_start3A_67 = tpu.memref_squeeze %dma_start3A_66 : memref<1x640xi32, #tpu.memory_space<vmem>> -> memref<640xi32, #tpu.memory_space<vmem>>
        %dma_start3A_68 = arith.constant 0 : i32
        %dma_start3A_69 = arith.constant 0 : i32
        %dma_start3A_70 = tpu.memref_slice %arg11[%dma_start3A_68, %dma_start3A_69] : memref<10240x48xf32, #tpu.memory_space<vmem_shared>> -> memref<10240x48xf32, #tpu.memory_space<vmem_shared>>
        tpu.enqueue_indirect_dma source(%arg8 : memref<640x48xf32, #tpu.memory_space<vmem>>) target(%dma_start3A_70 : memref<10240x48xf32, #tpu.memory_space<vmem_shared>>) offsets(%dma_start3A_67 : memref<640xi32, #tpu.memory_space<vmem>>) semaphore(%run_scoped3A : memref<!tpu.dma_semaphore, #tpu.memory_space<semaphore_mem>>) {add = true}
        %dma_wait3A_71 = arith.constant 0 : i32
        %dma_wait3A_72 = tpu.memref_slice %arg7[%mul3A_37, %dma_wait3A_71] : memref<16x640xi32, #tpu.memory_space<vmem>> -> memref<1x640xi32, #tpu.memory_space<vmem>>
        %dma_wait3A_73 = tpu.memref_squeeze %dma_wait3A_72 : memref<1x640xi32, #tpu.memory_space<vmem>> -> memref<640xi32, #tpu.memory_space<vmem>>
        %dma_wait3A_74 = arith.constant 0 : i32
        %dma_wait3A_75 = arith.constant 0 : i32
        %dma_wait3A_76 = tpu.memref_slice %arg11[%dma_wait3A_74, %dma_wait3A_75] : memref<10240x48xf32, #tpu.memory_space<vmem_shared>> -> memref<10240x48xf32, #tpu.memory_space<vmem_shared>>
        tpu.wait_indirect_dma semaphore(%run_scoped3A : memref<!tpu.dma_semaphore, #tpu.memory_space<semaphore_mem>>) src(%arg8 : memref<640x48xf32, #tpu.memory_space<vmem>>) dst(%dma_wait3A_76 : memref<10240x48xf32, #tpu.memory_space<vmem_shared>>)
        tpu.yield
      }) : () -> ()
      %add3A_51 = arith.constant 2 : i32
      %add3A_52 = arith.addi %mul3A_37, %add3A_51 : i32
      %lt3A = arith.constant 16 : i32
      %lt3A_53 = arith.cmpi slt, %add3A_52, %lt3A : i32
      %convert_element_type3A = arith.extui %lt3A_53 : i1 to i32
      %cond3A = arith.constant 0 : i32
      %cond3A_54 = arith.cmpi ne, %convert_element_type3A, %cond3A : i32
      scf.if %cond3A_54 {
        %add3A_65 = arith.constant 2 : i32
        %add3A_66 = arith.addi %mul3A_37, %add3A_65 : i32
        %dma_start3A_67 = arith.constant 0 : i32
        %dma_start3A_68 = tpu.memref_slice %arg6[%add3A_66, %dma_start3A_67] : memref<16x640xi32, #tpu.memory_space<vmem>> -> memref<1x640xi32, #tpu.memory_space<vmem>>
        %dma_start3A_69 = tpu.memref_squeeze %dma_start3A_68 : memref<1x640xi32, #tpu.memory_space<vmem>> -> memref<640xi32, #tpu.memory_space<vmem>>
        %dma_start3A_70 = arith.constant 0 : i32
        %dma_start3A_71 = arith.constant 0 : i32
        %dma_start3A_72 = tpu.memref_slice %arg2[%dma_start3A_70, %dma_start3A_71] : memref<10000x48xf32, #tpu.memory_space<hbm>> -> memref<10000x48xf32, #tpu.memory_space<hbm>>
        tpu.enqueue_indirect_dma source(%dma_start3A_72 : memref<10000x48xf32, #tpu.memory_space<hbm>>) target(%arg8 : memref<640x48xf32, #tpu.memory_space<vmem>>) offsets(%dma_start3A_69 : memref<640xi32, #tpu.memory_space<vmem>>) semaphore(%arg12 : memref<!tpu.dma_semaphore, #tpu.memory_space<semaphore_mem>>)
      } else {
      }
      %add3A_55 = arith.constant 1 : i32
      %add3A_56 = arith.addi %mul3A_37, %add3A_55 : i32
      %dma_wait3A_57 = arith.constant 0 : i32
      %dma_wait3A_58 = tpu.memref_slice %arg6[%add3A_56, %dma_wait3A_57] : memref<16x640xi32, #tpu.memory_space<vmem>> -> memref<1x640xi32, #tpu.memory_space<vmem>>
      %dma_wait3A_59 = tpu.memref_squeeze %dma_wait3A_58 : memref<1x640xi32, #tpu.memory_space<vmem>> -> memref<640xi32, #tpu.memory_space<vmem>>
      %dma_wait3A_60 = arith.constant 0 : i32
      %dma_wait3A_61 = arith.constant 0 : i32
      %dma_wait3A_62 = tpu.memref_slice %arg2[%dma_wait3A_60, %dma_wait3A_61] : memref<10000x48xf32, #tpu.memory_space<hbm>> -> memref<10000x48xf32, #tpu.memory_space<hbm>>
      tpu.wait_indirect_dma semaphore(%arg13 : memref<!tpu.dma_semaphore, #tpu.memory_space<semaphore_mem>>) src(%dma_wait3A_62 : memref<10000x48xf32, #tpu.memory_space<hbm>>) dst(%arg9 : memref<640x48xf32, #tpu.memory_space<vmem>>)
      %add3A_63 = arith.constant 1 : i32
      %add3A_64 = arith.addi %mul3A_37, %add3A_63 : i32
      "tpu.region"() ({
        %run_scoped3A = tpu.sem_alloc : memref<!tpu.dma_semaphore, #tpu.memory_space<semaphore_mem>>
        %dma_start3A_65 = arith.constant 0 : i32
        %dma_start3A_66 = tpu.memref_slice %arg7[%add3A_64, %dma_start3A_65] : memref<16x640xi32, #tpu.memory_space<vmem>> -> memref<1x640xi32, #tpu.memory_space<vmem>>
        %dma_start3A_67 = tpu.memref_squeeze %dma_start3A_66 : memref<1x640xi32, #tpu.memory_space<vmem>> -> memref<640xi32, #tpu.memory_space<vmem>>
        %dma_start3A_68 = arith.constant 0 : i32
        %dma_start3A_69 = arith.constant 0 : i32
        %dma_start3A_70 = tpu.memref_slice %arg11[%dma_start3A_68, %dma_start3A_69] : memref<10240x48xf32, #tpu.memory_space<vmem_shared>> -> memref<10240x48xf32, #tpu.memory_space<vmem_shared>>
        tpu.enqueue_indirect_dma source(%arg9 : memref<640x48xf32, #tpu.memory_space<vmem>>) target(%dma_start3A_70 : memref<10240x48xf32, #tpu.memory_space<vmem_shared>>) offsets(%dma_start3A_67 : memref<640xi32, #tpu.memory_space<vmem>>) semaphore(%run_scoped3A : memref<!tpu.dma_semaphore, #tpu.memory_space<semaphore_mem>>) {add = true}
        %dma_wait3A_71 = arith.constant 0 : i32
        %dma_wait3A_72 = tpu.memref_slice %arg7[%add3A_64, %dma_wait3A_71] : memref<16x640xi32, #tpu.memory_space<vmem>> -> memref<1x640xi32, #tpu.memory_space<vmem>>
        %dma_wait3A_73 = tpu.memref_squeeze %dma_wait3A_72 : memref<1x640xi32, #tpu.memory_space<vmem>> -> memref<640xi32, #tpu.memory_space<vmem>>
        %dma_wait3A_74 = arith.constant 0 : i32
        %dma_wait3A_75 = arith.constant 0 : i32
        %dma_wait3A_76 = tpu.memref_slice %arg11[%dma_wait3A_74, %dma_wait3A_75] : memref<10240x48xf32, #tpu.memory_space<vmem_shared>> -> memref<10240x48xf32, #tpu.memory_space<vmem_shared>>
        tpu.wait_indirect_dma semaphore(%run_scoped3A : memref<!tpu.dma_semaphore, #tpu.memory_space<semaphore_mem>>) src(%arg9 : memref<640x48xf32, #tpu.memory_space<vmem>>) dst(%dma_wait3A_76 : memref<10240x48xf32, #tpu.memory_space<vmem_shared>>)
        tpu.yield
      }) : () -> ()
    }
    %scan3A_30 = arith.constant 8 : i32
    %barrier3A_31 = arith.constant 0 : index
    tpu.barrier barrier_id(%barrier3A_31)
    %mul3A_32 = arith.constant 10240 : i32
    %mul3A_33 = arith.muli %arg0, %mul3A_32 : i32
    %add3A_34 = arith.addi %mul3A_33, %mul3A_8 : i32
    "tpu.region"() ({
      %run_scoped3A = tpu.sem_alloc : memref<!tpu.dma_semaphore, #tpu.memory_space<semaphore_mem>>
      %dma_start3A_35 = arith.constant 0 : i32
      %dma_start3A_36 = tpu.memref_slice %arg5[%add3A_34, %dma_start3A_35] : memref<20480x48xf32, #tpu.memory_space<hbm>> -> memref<640x48xf32, #tpu.memory_space<hbm>>
      %dma_start3A_37 = arith.constant 0 : i32
      %dma_start3A_38 = tpu.memref_slice %arg11[%mul3A_8, %dma_start3A_37] : memref<10240x48xf32, #tpu.memory_space<vmem_shared>> -> memref<640x48xf32, #tpu.memory_space<vmem_shared>>
      tpu.enqueue_dma source(%dma_start3A_38 : memref<640x48xf32, #tpu.memory_space<vmem_shared>>) target(%dma_start3A_36 : memref<640x48xf32, #tpu.memory_space<hbm>>) target_semaphore(%run_scoped3A : memref<!tpu.dma_semaphore, #tpu.memory_space<semaphore_mem>>)
      %dma_wait3A = arith.constant 0 : i32
      %dma_wait3A_39 = tpu.memref_slice %arg5[%add3A_34, %dma_wait3A] : memref<20480x48xf32, #tpu.memory_space<hbm>> -> memref<640x48xf32, #tpu.memory_space<hbm>>
      %dma_wait3A_40 = arith.constant 0 : i32
      %dma_wait3A_41 = tpu.memref_slice %arg11[%mul3A_8, %dma_wait3A_40] : memref<10240x48xf32, #tpu.memory_space<vmem_shared>> -> memref<640x48xf32, #tpu.memory_space<vmem_shared>>
      tpu.wait_dma2 semaphore(%run_scoped3A : memref<!tpu.dma_semaphore, #tpu.memory_space<semaphore_mem>>) src(%dma_wait3A_41 : memref<640x48xf32, #tpu.memory_space<vmem_shared>>) dst(%dma_wait3A_39 : memref<640x48xf32, #tpu.memory_space<hbm>>)
      tpu.yield
    }) : () -> ()
    return
  }
}

module attributes {stable_mosaic.version = 14 : i64} {
  func.func @_tc1_body(%arg0: i32, %arg1: memref<512x128xf32, #tpu.memory_space<vmem>>, %arg2: memref<128x256xf32, #tpu.memory_space<vmem>>, %arg3: memref<256x48xf32, #tpu.memory_space<vmem>>, %arg4: memref<32x512xf32, #tpu.memory_space<vmem>>, %arg5: memref<512x48xf32, #tpu.memory_space<vmem>>) attributes {dimension_semantics = [#tpu.dimension_semantics<arbitrary>], iteration_bounds = array<i64: 20>, scalar_prefetch = 0 : i64, scratch_operands = 0 : i64, tpu.core_type = #tpu.core_type<tc>, window_params = [{transform_indices = @transform_0, window_bounds = array<i64: 512, 128>}, {pipeline_mode = #tpu.pipeline_mode<synchronous>, transform_indices = @transform_1, window_bounds = array<i64: 128, 256>}, {pipeline_mode = #tpu.pipeline_mode<synchronous>, transform_indices = @transform_2, window_bounds = array<i64: 256, 48>}, {transform_indices = @transform_3, window_bounds = array<i64: 32, 512>}, {transform_indices = @transform_4, window_bounds = array<i64: 512, 48>}]} {
    %get3A = arith.constant 0 : index
    %get3A_0 = arith.constant 0 : index
    %get3A_1 = vector.load %arg4[%get3A, %get3A_0] : memref<32x512xf32, #tpu.memory_space<vmem>>, vector<32x512xf32>
    %reduce_sum3A = arith.constant dense<0.000000e+00> : vector<512xf32>
    %reduce_sum3A_2 = vector.multi_reduction <add>, %get3A_1, %reduce_sum3A [0] : vector<32x512xf32> to vector<512xf32>
    %add3A = arith.constant 1.000000e+00 : f32
    %add3A_3 = vector.broadcast %add3A : f32 to vector<512xf32>
    %add3A_4 = arith.addf %reduce_sum3A_2, %add3A_3 : vector<512xf32>
    %rsqrt3A = math.rsqrt %add3A_4 : vector<512xf32>
    %get3A_5 = arith.constant 0 : index
    %get3A_6 = arith.constant 0 : index
    %get3A_7 = vector.load %arg2[%get3A_5, %get3A_6] : memref<128x256xf32, #tpu.memory_space<vmem>>, vector<128x256xf32>
    %get3A_8 = arith.constant 0 : index
    %get3A_9 = arith.constant 0 : index
    %get3A_10 = vector.load %arg3[%get3A_8, %get3A_9] : memref<256x48xf32, #tpu.memory_space<vmem>>, vector<256x48xf32>
    %dot_general3A = arith.constant dense<0.000000e+00> : vector<128x48xf32>
    %dot_general3A_11 = tpu.matmul %get3A_7, %get3A_10, %dot_general3A {dimension_numbers = #tpu.dot_dimension_numbers<[1], [0], [0], [1], [0, 0, 1, 1], [], []>, transpose_lhs_hint = false} : vector<128x256xf32>, vector<256x48xf32>, vector<128x48xf32> -> vector<128x48xf32>
    %get3A_12 = arith.constant 0 : index
    %get3A_13 = arith.constant 0 : index
    %get3A_14 = vector.load %arg1[%get3A_12, %get3A_13] : memref<512x128xf32, #tpu.memory_space<vmem>>, vector<512x128xf32>
    %dot_general3A_15 = arith.constant dense<0.000000e+00> : vector<512x48xf32>
    %dot_general3A_16 = tpu.matmul %get3A_14, %dot_general3A_11, %dot_general3A_15 {dimension_numbers = #tpu.dot_dimension_numbers<[1], [0], [0], [1], [0, 0, 1, 1], [], []>, transpose_lhs_hint = false} : vector<512x128xf32>, vector<128x48xf32>, vector<512x48xf32> -> vector<512x48xf32>
    %broadcast_in_dim3A = vector.shape_cast %rsqrt3A : vector<512xf32> to vector<512x1xf32>
    %mul3A = vector.broadcast %broadcast_in_dim3A : vector<512x1xf32> to vector<512x48xf32>
    %mul3A_17 = arith.mulf %dot_general3A_16, %mul3A : vector<512x48xf32>
    %swap3A = arith.constant 0 : index
    %swap3A_18 = arith.constant 0 : index
    %swap3A_19 = vector.load %arg5[%swap3A, %swap3A_18] : memref<512x48xf32, #tpu.memory_space<vmem>>, vector<512x48xf32>
    tpu.vector_store %arg5[%swap3A, %swap3A_18], %mul3A_17 {strides = array<i32>} : memref<512x48xf32, #tpu.memory_space<vmem>>, vector<512x48xf32>,
    return
  }
  func.func @transform_0(%arg0: i32) -> (i32, i32) {
    %c0_i32 = arith.constant 0 : i32
    %c0_i32_0 = arith.constant 0 : i32
    return %arg0, %c0_i32 : i32, i32
  }
  func.func @transform_1(%arg0: i32) -> (i32, i32) {
    %c0_i32 = arith.constant 0 : i32
    %c0_i32_0 = arith.constant 0 : i32
    %c0_i32_1 = arith.constant 0 : i32
    return %c0_i32, %c0_i32_0 : i32, i32
  }
  func.func @transform_2(%arg0: i32) -> (i32, i32) {
    %c0_i32 = arith.constant 0 : i32
    %c0_i32_0 = arith.constant 0 : i32
    %c0_i32_1 = arith.constant 0 : i32
    return %c0_i32, %c0_i32_0 : i32, i32
  }
  func.func @transform_3(%arg0: i32) -> (i32, i32) {
    %c0_i32 = arith.constant 0 : i32
    %c0_i32_0 = arith.constant 0 : i32
    return %c0_i32, %arg0 : i32, i32
  }
  func.func @transform_4(%arg0: i32) -> (i32, i32) {
    %c0_i32 = arith.constant 0 : i32
    %c0_i32_0 = arith.constant 0 : i32
    return %arg0, %c0_i32 : i32, i32
  }
}

module attributes {stable_mosaic.version = 14 : i64} {
  func.func @_tc2_body(%arg0: i32, %arg1: memref<512x48xf32, #tpu.memory_space<vmem>>, %arg2: memref<512x48xf32, #tpu.memory_space<vmem>>, %arg3: memref<512x48xf32, #tpu.memory_space<vmem>>, %arg4: memref<32x512xf32, #tpu.memory_space<vmem>>, %arg5: memref<512x48xf32, #tpu.memory_space<vmem>>) attributes {dimension_semantics = [#tpu.dimension_semantics<arbitrary>], iteration_bounds = array<i64: 20>, scalar_prefetch = 0 : i64, scratch_operands = 0 : i64, tpu.core_type = #tpu.core_type<tc>, window_params = [{transform_indices = @transform_0, window_bounds = array<i64: 512, 48>}, {transform_indices = @transform_1, window_bounds = array<i64: 512, 48>}, {transform_indices = @transform_2, window_bounds = array<i64: 512, 48>}, {transform_indices = @transform_3, window_bounds = array<i64: 32, 512>}, {transform_indices = @transform_4, window_bounds = array<i64: 512, 48>}]} {
    %get3A = arith.constant 0 : index
    %get3A_0 = arith.constant 0 : index
    %get3A_1 = vector.load %arg4[%get3A, %get3A_0] : memref<32x512xf32, #tpu.memory_space<vmem>>, vector<32x512xf32>
    %reduce_sum3A = arith.constant dense<0.000000e+00> : vector<512xf32>
    %reduce_sum3A_2 = vector.multi_reduction <add>, %get3A_1, %reduce_sum3A [0] : vector<32x512xf32> to vector<512xf32>
    %add3A = arith.constant 1.000000e+00 : f32
    %add3A_3 = vector.broadcast %add3A : f32 to vector<512xf32>
    %add3A_4 = arith.addf %reduce_sum3A_2, %add3A_3 : vector<512xf32>
    %get3A_5 = arith.constant 0 : index
    %get3A_6 = arith.constant 0 : index
    %get3A_7 = vector.load %arg1[%get3A_5, %get3A_6] : memref<512x48xf32, #tpu.memory_space<vmem>>, vector<512x48xf32>
    %get3A_8 = arith.constant 0 : index
    %get3A_9 = arith.constant 0 : index
    %get3A_10 = vector.load %arg2[%get3A_8, %get3A_9] : memref<512x48xf32, #tpu.memory_space<vmem>>, vector<512x48xf32>
    %add3A_11 = arith.addf %get3A_7, %get3A_10 : vector<512x48xf32>
    %get3A_12 = arith.constant 0 : index
    %get3A_13 = arith.constant 0 : index
    %get3A_14 = vector.load %arg3[%get3A_12, %get3A_13] : memref<512x48xf32, #tpu.memory_space<vmem>>, vector<512x48xf32>
    %add3A_15 = arith.addf %add3A_11, %get3A_14 : vector<512x48xf32>
    %broadcast_in_dim3A = vector.shape_cast %add3A_4 : vector<512xf32> to vector<512x1xf32>
    %div3A = vector.broadcast %broadcast_in_dim3A : vector<512x1xf32> to vector<512x48xf32>
    %div3A_16 = arith.divf %add3A_15, %div3A : vector<512x48xf32>
    %swap3A = arith.constant 0 : index
    %swap3A_17 = arith.constant 0 : index
    %swap3A_18 = vector.load %arg5[%swap3A, %swap3A_17] : memref<512x48xf32, #tpu.memory_space<vmem>>, vector<512x48xf32>
    tpu.vector_store %arg5[%swap3A, %swap3A_17], %div3A_16 {strides = array<i32>} : memref<512x48xf32, #tpu.memory_space<vmem>>, vector<512x48xf32>,
    return
  }
  func.func @transform_0(%arg0: i32) -> (i32, i32) {
    %c0_i32 = arith.constant 0 : i32
    %c0_i32_0 = arith.constant 0 : i32
    return %arg0, %c0_i32 : i32, i32
  }
  func.func @transform_1(%arg0: i32) -> (i32, i32) {
    %add3A = arith.constant 20 : i32
    %add3A_0 = arith.addi %arg0, %add3A : i32
    %c0_i32 = arith.constant 0 : i32
    %c0_i32_1 = arith.constant 0 : i32
    return %add3A_0, %c0_i32 : i32, i32
  }
  func.func @transform_2(%arg0: i32) -> (i32, i32) {
    %c0_i32 = arith.constant 0 : i32
    %c0_i32_0 = arith.constant 0 : i32
    return %arg0, %c0_i32 : i32, i32
  }
  func.func @transform_3(%arg0: i32) -> (i32, i32) {
    %c0_i32 = arith.constant 0 : i32
    %c0_i32_0 = arith.constant 0 : i32
    return %c0_i32, %arg0 : i32, i32
  }
  func.func @transform_4(%arg0: i32) -> (i32, i32) {
    %c0_i32 = arith.constant 0 : i32
    %c0_i32_0 = arith.constant 0 : i32
    return %arg0, %c0_i32 : i32, i32
  }
}

module attributes {stable_mosaic.version = 14 : i64} {
  func.func @_tc3_body(%arg0: i32, %arg1: memref<512x48xf32, #tpu.memory_space<vmem>>, %arg2: memref<512x48xf32, #tpu.memory_space<vmem>>, %arg3: memref<512x48xf32, #tpu.memory_space<vmem>>, %arg4: memref<32x512xf32, #tpu.memory_space<vmem>>, %arg5: memref<256x40xf32, #tpu.memory_space<vmem>>, %arg6: memref<1x256xf32, #tpu.memory_space<vmem>>, %arg7: memref<1x40xf32, #tpu.memory_space<vmem>>, %arg8: memref<512x40xf32, #tpu.memory_space<vmem>>) attributes {dimension_semantics = [#tpu.dimension_semantics<arbitrary>], iteration_bounds = array<i64: 20>, scalar_prefetch = 0 : i64, scratch_operands = 0 : i64, tpu.core_type = #tpu.core_type<tc>, window_params = [{transform_indices = @transform_0, window_bounds = array<i64: 512, 48>}, {transform_indices = @transform_1, window_bounds = array<i64: 512, 48>}, {transform_indices = @transform_2, window_bounds = array<i64: 512, 48>}, {transform_indices = @transform_3, window_bounds = array<i64: 32, 512>}, {pipeline_mode = #tpu.pipeline_mode<synchronous>, transform_indices = @transform_4, window_bounds = array<i64: 256, 40>}, {pipeline_mode = #tpu.pipeline_mode<synchronous>, transform_indices = @transform_5, window_bounds = array<i64: 1, 256>}, {pipeline_mode = #tpu.pipeline_mode<synchronous>, transform_indices = @transform_6, window_bounds = array<i64: 1, 40>}, {transform_indices = @transform_7, window_bounds = array<i64: 512, 40>}]} {
    %get3A = arith.constant 0 : index
    %get3A_0 = arith.constant 0 : index
    %get3A_1 = vector.load %arg4[%get3A, %get3A_0] : memref<32x512xf32, #tpu.memory_space<vmem>>, vector<32x512xf32>
    %reduce_sum3A = arith.constant dense<0.000000e+00> : vector<512xf32>
    %reduce_sum3A_2 = vector.multi_reduction <add>, %get3A_1, %reduce_sum3A [0] : vector<32x512xf32> to vector<512xf32>
    %add3A = arith.constant 1.000000e+00 : f32
    %add3A_3 = vector.broadcast %add3A : f32 to vector<512xf32>
    %add3A_4 = arith.addf %reduce_sum3A_2, %add3A_3 : vector<512xf32>
    %rsqrt3A = math.rsqrt %add3A_4 : vector<512xf32>
    %get3A_5 = arith.constant 0 : index
    %get3A_6 = arith.constant 0 : index
    %get3A_7 = vector.load %arg1[%get3A_5, %get3A_6] : memref<512x48xf32, #tpu.memory_space<vmem>>, vector<512x48xf32>
    %get3A_8 = arith.constant 0 : index
    %get3A_9 = arith.constant 0 : index
    %get3A_10 = vector.load %arg2[%get3A_8, %get3A_9] : memref<512x48xf32, #tpu.memory_space<vmem>>, vector<512x48xf32>
    %add3A_11 = arith.addf %get3A_7, %get3A_10 : vector<512x48xf32>
    %get3A_12 = arith.constant 0 : index
    %get3A_13 = arith.constant 0 : index
    %get3A_14 = vector.load %arg3[%get3A_12, %get3A_13] : memref<512x48xf32, #tpu.memory_space<vmem>>, vector<512x48xf32>
    %add3A_15 = arith.addf %add3A_11, %get3A_14 : vector<512x48xf32>
    %broadcast_in_dim3A = vector.shape_cast %rsqrt3A : vector<512xf32> to vector<512x1xf32>
    %mul3A = vector.broadcast %broadcast_in_dim3A : vector<512x1xf32> to vector<512x48xf32>
    %mul3A_16 = arith.mulf %add3A_15, %mul3A : vector<512x48xf32>
    %get3A_17 = arith.constant 0 : index
    %get3A_18 = arith.constant 0 : index
    %get3A_19 = vector.load %arg6[%get3A_17, %get3A_18] : memref<1x256xf32, #tpu.memory_space<vmem>>, vector<1x256xf32>
    %get3A_20 = arith.constant 0 : index
    %get3A_21 = arith.constant 0 : index
    %get3A_22 = vector.load %arg5[%get3A_20, %get3A_21] : memref<256x40xf32, #tpu.memory_space<vmem>>, vector<256x40xf32>
    %dot_general3A = arith.constant dense<0.000000e+00> : vector<1x40xf32>
    %dot_general3A_23 = tpu.matmul %get3A_19, %get3A_22, %dot_general3A {dimension_numbers = #tpu.dot_dimension_numbers<[1], [0], [0], [1], [0, 0, 1, 1], [], []>, transpose_lhs_hint = false} : vector<1x256xf32>, vector<256x40xf32>, vector<1x40xf32> -> vector<1x40xf32>
    %get3A_24 = arith.constant 0 : index
    %get3A_25 = arith.constant 0 : index
    %get3A_26 = vector.load %arg7[%get3A_24, %get3A_25] : memref<1x40xf32, #tpu.memory_space<vmem>>, vector<1x40xf32>
    %add3A_27 = arith.addf %dot_general3A_23, %get3A_26 : vector<1x40xf32>
    %slice3A = vector.extract_strided_slice %mul3A_16 {offsets = [0, 0], sizes = [512, 40], strides = [1, 1]} : vector<512x48xf32> to vector<512x40xf32>
    %add3A_28 = vector.broadcast %add3A_27 : vector<1x40xf32> to vector<512x40xf32>
    %add3A_29 = arith.addf %slice3A, %add3A_28 : vector<512x40xf32>
    %swap3A = arith.constant 0 : index
    %swap3A_30 = arith.constant 0 : index
    %swap3A_31 = vector.load %arg8[%swap3A, %swap3A_30] : memref<512x40xf32, #tpu.memory_space<vmem>>, vector<512x40xf32>
    tpu.vector_store %arg8[%swap3A, %swap3A_30], %add3A_29 {strides = array<i32>} : memref<512x40xf32, #tpu.memory_space<vmem>>, vector<512x40xf32>,
    return
  }
  func.func @transform_0(%arg0: i32) -> (i32, i32) {
    %c0_i32 = arith.constant 0 : i32
    %c0_i32_0 = arith.constant 0 : i32
    return %arg0, %c0_i32 : i32, i32
  }
  func.func @transform_1(%arg0: i32) -> (i32, i32) {
    %add3A = arith.constant 20 : i32
    %add3A_0 = arith.addi %arg0, %add3A : i32
    %c0_i32 = arith.constant 0 : i32
    %c0_i32_1 = arith.constant 0 : i32
    return %add3A_0, %c0_i32 : i32, i32
  }
  func.func @transform_2(%arg0: i32) -> (i32, i32) {
    %c0_i32 = arith.constant 0 : i32
    %c0_i32_0 = arith.constant 0 : i32
    return %arg0, %c0_i32 : i32, i32
  }
  func.func @transform_3(%arg0: i32) -> (i32, i32) {
    %c0_i32 = arith.constant 0 : i32
    %c0_i32_0 = arith.constant 0 : i32
    return %c0_i32, %arg0 : i32, i32
  }
  func.func @transform_4(%arg0: i32) -> (i32, i32) {
    %c0_i32 = arith.constant 0 : i32
    %c0_i32_0 = arith.constant 0 : i32
    %c0_i32_1 = arith.constant 0 : i32
    return %c0_i32, %c0_i32_0 : i32, i32
  }
  func.func @transform_5(%arg0: i32) -> (i32, i32) {
    %c0_i32 = arith.constant 0 : i32
    %c0_i32_0 = arith.constant 0 : i32
    %c0_i32_1 = arith.constant 0 : i32
    return %c0_i32, %c0_i32_0 : i32, i32
  }
  func.func @transform_6(%arg0: i32) -> (i32, i32) {
    %c0_i32 = arith.constant 0 : i32
    %c0_i32_0 = arith.constant 0 : i32
    %c0_i32_1 = arith.constant 0 : i32
    return %c0_i32, %c0_i32_0 : i32, i32
  }
  func.func @transform_7(%arg0: i32) -> (i32, i32) {
    %c0_i32 = arith.constant 0 : i32
    %c0_i32_0 = arith.constant 0 : i32
    return %arg0, %c0_i32 : i32, i32
  }
}

</mosaic_0001>

<sc_bundles>
// kernel: kernel.11.cloned.1.call-start
scs
__scs_entry_jumppad:
0x0: {  	(pc) =	sbr.rel $0x88, $3  }
0x1: {  	(tag) =	ssettag $0x0;
	lr =	simm.s32 $0x1  }
0x2: {  	[smem:$0x3F9B] =	sst lr;
	_ =	strace $0xD0000000  }
0x3: {  	_ = 	snop  }
0x4: {  	_ = 	snop  }
0x5: {  	_ = 	snop  }
0x6: {  	_ = 	snop  }
0x7: {  	_ = 	snop  }
__scs_overlays_trampoline_lowered:
0x8: {  	[smem:$0x3FAA] =	sst s0  }
0x9: {  	[smem:$0x3FAB] =	sst s1  }
0xa: {  	[smem:$0x3FAC] =	sst s2  }
0xb: {  	[smem:$0x3FAD] =	sst s3  }
0xc: {  	[smem:$0x3FAE] =	sst s4  }
0xd: {  	[smem:$0x3FAF] =	sst s5  }
0xe: {  	[smem:$0x3FB0] =	sst s6  }
0xf: {  	[smem:$0x3FB1] =	sst s7  }
0x10: {  	[smem:$0x3FB2] =	sst s8  }
0x11: {  	[smem:$0x3FB3] =	sst s9;
	s0 =	simm.s32 @!p0 $0x0  }
0x12: {  	s1 =	sld [smem:$0x3F99];
	s0 =	simm.s32 @p0 $0x1  }
0x13: {  	[smem:$0x3FB4] =	sst s0;
	s0 =	simm.s32 @!p1 $0x0  }
0x14: {  	s2 =	sld [smem:$0x3F98];
	s0 =	simm.s32 @p1 $0x1  }
0x15: {  	[smem:$0x3FB5] =	sst s0;
	s0 =	simm.s32 @!p2 $0x0  }
0x16: {  	s3 =	sld [smem:$0x3FDB];
	s0 =	simm.s32 @p2 $0x1  }
0x17: {  	s4 =	simm.s32 $0x1BF5;
	[smem:$0x3FB7] =	sst s0  }
0x18: {  	s0 =	sld [smem:$0x3F9A];
	_ =	swait.ge [sflag:s4], $0x0  }
0x19: {  	s7 =	sld [smem:$0x3F9B]  }
0x1a: {  	s8 =	sadd.s32 $0xFFFFE003, lr  }
0x1b: {  	s9 =	sadd.s32 $0xFFFFFEF7, lr;
	s5 =	simm.s32 $0xFFFFFFFF;
	p2 =	slt.u32 s8, $0xFFFFF086  }
0x1c: {  	p1 =	slt.u32 s9, $0xF7A;
	s5 =	simm.s32 @!p2 $0x0  }
0x1d: {  	s5 =	simm.s32 @p1 $0x1;
	p0 =	seq.s32 s7, s2  }
0x1e: {  	s7 =	smul.u32 @!p0 $0xF7A, s2;
	p2 =	seq.s32 @!p0 s5, $0x0  }
0x1f: {  	s9 =	smul.u32 $0xF7A, s1;
	s8 =	simm.s32 @!p0 $0x1BF5;
	p2 =	por !p2, p0  }
0x20: {  	[sflag:s8] =	ssyncset.s32 @!p0 $0xFFFFF086;
	s6 =	sadd.s32 @!p0 s3, s7;
	s7 =	simm.s32 @!p0 $0x108  }
0x21: {  	s3 =	sadd.s32 s3, s9;
	s6 =	sadd.s32 @!p0 $0x88, s6;
	s7 =	simm.s32 @p2 $0x1082  }
0x22: {  	[simem:s7], [sflag:s8] =	dma.local @!p0 [hbm:s6], $0xF7A  }
0x23: {  	s9 =	sor.u32 $0xD0000000, s2;
	s6 =	simm.s32 $0x108;
	_ =	swait.ge @!p0 [sflag:s8], $0x0  }
0x24: {  	s3 =	sadd.s32 $0x88, s3;
	s6 =	simm.s32 @!p1 $0x1082;
	[sflag:s4] =	ssyncset.s32 $0xFFFFF086  }
0x25: {  	[simem:s6], [sflag:s4] =	dma.local [hbm:s3], $0xF7A  }
0x26: {  	[smem:$0x3F9B] =	sst s1;
	(tag) =	ssettag s2;
	_ =	strace s9  }
0x27: {  	s1 =	sld [smem:$0x3FAB]  }
0x28: {  	s2 =	sld [smem:$0x3FAC]  }
0x29: {  	s4 =	sld [smem:$0x3FAE]  }
0x2a: {  	p0 =	seq.s32 s5, $0x0;
	s5 =	sld [smem:$0x3FAF]  }
0x2b: {  	s6 =	sld [smem:$0x3FB0]  }
0x2c: {  	s7 =	sld [smem:$0x3FB1]  }
0x2d: {  	s3 =	simm.s32 $0x108;
	s8 =	sld [smem:$0x3FB2]  }
0x2e: {  	s3 =	simm.s32 @!p0 $0x1082;
	s9 =	sld [smem:$0x3FB3]  }
0x2f: {  	lr =	sadd.s32 s0, s3;
	s0 =	sld [smem:$0x3FAA]  }
0x30: {  	s3 =	sld [smem:$0x3FAD]  }
0x31: {  	[smem:$0x3FB6] =	sst s10  }
0x32: {  	s10 =	sld [smem:$0x3FB4];
	_ =	sdelay $0x3  }
0x33: {  	p0 =	seq.s32 s10, $0x1;
	s10 =	sld [smem:$0x3FB6];
	_ =	sdelay $0x3  }
0x34: {  	[smem:$0x3FB6] =	sst s10  }
0x35: {  	s10 =	sld [smem:$0x3FB5];
	_ =	sdelay $0x3  }
0x36: {  	p1 =	seq.s32 s10, $0x1;
	s10 =	sld [smem:$0x3FB6];
	_ =	sdelay $0x3  }
0x37: {  	[smem:$0x3FB6] =	sst s10  }
0x38: {  	s10 =	sld [smem:$0x3FB7]  }
0x39: {  	_ = 	snop;
	(pc) =	sbr.ind lr, $3  }
0x3a: {  	_ = 	snop  }
0x3b: {  	_ = 	snop  }
0x3c: {  	p2 =	seq.s32 s10, $0x1;
	s10 =	sld [smem:$0x3FB6]  }
0x3d: {  	_ =	shalt  }
0x3e: {  	_ =	shalt  }
0x3f: {  	_ =	shalt  }
0x40: {  	_ =	shalt  }
0x41: {  	_ =	shalt  }
0x42: {  	_ =	shalt  }
0x43: {  	_ =	shalt  }
0x44: {  	_ =	shalt  }
0x45: {  	_ =	shalt  }
0x46: {  	_ =	shalt  }
0x47: {  	_ =	shalt  }
0x48: {  	_ =	shalt  }
0x49: {  	_ =	shalt  }
0x4a: {  	_ =	shalt  }
0x4b: {  	_ =	shalt  }
0x4c: {  	_ =	shalt  }
0x4d: {  	_ =	shalt  }
0x4e: {  	_ =	shalt  }
0x4f: {  	_ =	shalt  }
0x50: {  	_ =	shalt  }
0x51: {  	_ =	shalt  }
0x52: {  	_ =	shalt  }
0x53: {  	_ =	shalt  }
0x54: {  	_ =	shalt  }
0x55: {  	_ =	shalt  }
0x56: {  	_ =	shalt  }
0x57: {  	_ =	shalt  }
0x58: {  	_ =	shalt  }
0x59: {  	_ =	shalt  }
0x5a: {  	_ =	shalt  }
0x5b: {  	_ =	shalt  }
0x5c: {  	_ =	shalt  }
0x5d: {  	_ =	shalt  }
0x5e: {  	_ =	shalt  }
0x5f: {  	_ =	shalt  }
0x60: {  	_ =	shalt  }
0x61: {  	_ =	shalt  }
0x62: {  	_ =	shalt  }
0x63: {  	_ =	shalt  }
0x64: {  	_ =	shalt  }
0x65: {  	_ =	shalt  }
0x66: {  	_ =	shalt  }
0x67: {  	_ =	shalt  }
0x68: {  	_ =	shalt  }
0x69: {  	_ =	shalt  }
0x6a: {  	_ =	shalt  }
0x6b: {  	_ =	shalt  }
0x6c: {  	_ =	shalt  }
0x6d: {  	_ =	shalt  }
0x6e: {  	_ =	shalt  }
0x6f: {  	_ =	shalt  }
0x70: {  	_ =	shalt  }
0x71: {  	_ =	shalt  }
0x72: {  	_ =	shalt  }
0x73: {  	_ =	shalt  }
0x74: {  	_ =	shalt  }
0x75: {  	_ =	shalt  }
0x76: {  	_ =	shalt  }
0x77: {  	_ =	shalt  }
0x78: {  	_ =	shalt  }
0x79: {  	_ =	shalt  }
0x7a: {  	_ =	shalt  }
0x7b: {  	_ =	shalt  }
0x7c: {  	_ =	shalt  }
0x7d: {  	_ =	shalt  }
0x7e: {  	_ =	shalt  }
0x7f: {  	_ =	shalt  }
0x80: {  	_ =	shalt  }
0x81: {  	_ =	shalt  }
0x82: {  	_ =	shalt  }
0x83: {  	_ =	shalt  }
0x84: {  	_ =	shalt  }
0x85: {  	_ =	shalt  }
0x86: {  	_ =	shalt  }
0x87: {  	_ =	shalt  }
.Lfunc_end0:
.L_simem_size_0:
called_computation.1_lowered:
.L_overlay_start_0:
0x88: {  	s2 =	sld [smem:$0x3FD9]  }
0x89: {  	s3 =	sld [smem:$0x3FFE];
	_ =	sdelay $0x1  }
0x8a: {  	s1 =	srdreg.scid  }
0x8b: {  	s0 =	sand.u32 $0x1, s1  }
0x8c: {  	s17 =	sshll.u32 s0, $0xA;
	s2 =	sadd.s32 s3, s2  }
0x8d: {  	s2 =	sadd.s32 s2, s17  }
0x8e: {  	[smem:$0x3FC2] =	sst s2  }
0x8f: {  	_ = 	snop  }
0x90: {  	s2 =	sld [smem:$0x3FD0];
	(tm) =	ssettm $0x1  }
0x91: {  	s18 =	sld [smem:$0x3FFB];
	_ =	sdelay $0x3  }
0x92: {  	_ =	strace s18  }
0x93: {  	s3 =	sld [smem:$0x3FFC];
	_ =	sdelay $0x3  }
0x94: {  	_ =	strace s3  }
0x95: {  	s3 =	sld [smem:$0x3FFD];
	_ =	sdelay $0x3  }
0x96: {  	_ =	strace s3  }
0x97: {  	_ =	strace $0x8FFFFFFF  }
0x98: {  	s19 =	sld [smem:$0x3FDB];
	_ =	sdelay $0x1  }
0x99: {  	s4 =	simm.s32 $_scs_section_size  }
0x9a: {  	s5 =	simm.s32 $_size__tile_overlayer_lowered;
	s6 =	simm.s32 $_tile_overlayer_lowered  }
0x9b: {  	s22 =	simm.s32 $0x1BFF;
	s21 =	sshll.u32 s6, $0x1;
	s3 =	sadd.s32 s4, s19  }
0x9c: {  	s7 =	simm.s32 $0x0;
	s20 =	sshll.u32 s5, $0x1;
	s5 =	sadd.s32 s21, s3  }
0x9d: {  	[timem:s7], [sflag:s22] =	dma.local [hbm:s5], s20  }
0x9e: {  	_ =	swait.ge [sflag:s22], s20  }
0x9f: {  	s4 =	ssub.s32 $0x0, s20;
	[sflag:s22] =	ssyncset.done $0x0  }
0xa0: {  	[sflag:s22] =	ssyncadd.s32 s4;
	_ =	sdelay $0x1  }
0xa1: {  	s23 =	simm.s32 $0x1B8B  }
0xa2: {  	_ =	swait.ge [sflag:s23], $0x1  }
0xa3: {  	[sflag:s23] =	ssyncset.done $0x0  }
0xa4: {  	s25 =	simm.s32 $0x1B8E;
	s24 =	sld [smem:$0x3FFE];
	[sflag:s23] =	ssyncadd.s32 $0xFFFFFFFF  }
0xa5: {  	s26 =	simm.s32 $execute0_lowered;
	[smem:$0x3FD2] =	sst s25  }
0xa6: {  	s5 =	sshll.u32 s26, $0x1;
	_ =	strace $0x80000049;
	[dreg:$0x1] =	wrdreg $0xFFFFFFFF  }
0xa7: {  	s28 =	simm.s32 $_size_execute0_lowered;
	s3 =	sadd.s32 s3, s5;
	[dreg:$0x0] =	wrdreg $0x0  }
0xa8: {  	s5 =	sshll.u32 s28, $0x1;
	[dreg:$0x2] =	wrdreg s3  }
0xa9: {  	[dreg:$0x3] =	wrdreg s5  }
0xaa: {  	[dreg:$0x4] =	wrdreg $0xC0  }
0xab: {  	_ =	task [dreg:s7], $0x5FFFF  }
0xac: {  	[dreg:$0x1] =	wrdreg $0xFFFFFFFF  }
0xad: {  	[dreg:$0x0] =	wrdreg $0x60  }
0xae: {  	[dreg:$0x2] =	wrdreg s24  }
0xaf: {  	[dreg:$0x3] =	wrdreg s2  }
0xb0: {  	[dreg:$0x4] =	wrdreg $0x158000  }
0xb1: {  	[dreg:$0x5] =	wrdreg $0x9  }
0xb2: {  	_ =	task.clear_ibuf [dreg:s7], $0x6FFFF;
	_ =	strace $0x90000049  }
0xb3: {  	s29 =	simm.s32 $0x9;
	_ =	strace $0x8000004B  }
0xb4: {  	_ =	swait.ge [sflag:s29], $0x1  }
0xb5: {  	[sflag:s29] =	ssyncadd.s32 $0xFFFFFFFF  }
0xb6: {  	_ =	strace $0x9000004B  }
0xb7: {  	_ =	sfence  }
0xb8: {  	s30 =	sld [smem:$0x0];
	_ =	sdelay $0x2  }
0xb9: {  	s31 =	sshll.u32 s1, $0xD;
	s1 =	sshrl.u32 s1, $0x2  }
0xba: {  	s3 =	sand.u32 $0x4000, s31;
	s1 =	sadd.s32 s1, s30  }
0xbb: {  	s0 =	sor.u32 s3, s0;
	s1 =	sshll.u32 s1, $0x11  }
0xbc: {  	s0 =	sor.u32 s1, s0  }
0xbd: {  	s0 =	sadd.s32 $0x8F2B, s0  }
0xbe: {  	[sflag:s0] =	ssyncadd.remote.s32 $0x1  }
0xbf: {  	_ =	sfence.sel $0xFFFF  }
0xc0: {  	[dreg:$0x0] =	wrdreg $0xFFFFFFFF;
	(pc) =	sbr.abs _section_cstart, $3  }
0xc1: {  	[dreg:$0x1] =	wrdreg $0xFFFFFFFF  }
0xc2: {  	_ =	task.clear_ibuf [dreg:s7], $0x2FFFF;
	_ =	strace $0x9FFFFFFF  }
0xc3: {  	(tm) =	ssettm $0x7FFFFFFF  }
tec
execute0_lowered:
.L_overlay_start_1:
0x0: {  	(tag) =	ssettag $0x1  }
0x1: {  	s0 =	srdreg.scid  }
0x2: {  	s1 =	rddreg [dreg:$0x0];
	s4 =	stileid.u32  }
0x3: {  	s11 =	rddreg [dreg:$0x1];
	s14 =	simm.s32 $0x14000;
	s15 =	simm.s32 $0x3  }
0x4: {  	s16 =	simm.s32 $0x2800;
	s17 =	simm.s32 $0x280;
	s18 =	simm.s32 $0x5000  }
0x5: {  	s19 =	simm.s32 $0xC800;
	s20 =	simm.s32 $0x1;
	s22 =	simm.s32 $0x2  }
0x6: {  	s21 =	simm.s32 $0x2080;
	s23 =	simm.s32 $0x4600;
	s24 =	simm.s32 $0x2300  }
0x7: {  	s25 =	simm.s32 $0x4880;
	s26 =	simm.s32 $0x2580;
	s28 =	simm.s32 $0x4B00  }
0x8: {  	s29 =	simm.s32 $0x4D80;
	s0 =	sand.u32 $0x1, s0;
	s5 =	smul.u32 $0xF00, s4  }
0x9: {  	s30 =	simm.s32 $0x0;
	s6 =	smul.u32 $0x1E000, s4;
	s2 =	sshll.u32 s0, $0x4  }
0xa: {  	s7 =	smul.u32 $0xF000, s0;
	s0 =	ssub.s32 $0x2, s0;
	s3 =	sor.u32 s4, s2  }
0xb: {  	s2 =	rddreg [dreg:$0x2];
	s4 =	sadd.s32 $0xB600, s1;
	s6 =	sshrl.u32 s6, $0x2  }
0xc: {  	s8 =	sshrl.u32 s0, $0x1;
	s12 =	smul.u32 $0x500, s3;
	s3 =	simm.s32 $0x0  }
0xd: {  	s7 =	sadd.s32 s5, s7;
	s5 =	sadd.s32 s6, s2;
	s0 =	ssub.s32 s0, s8  }
0xe: {  	[smem:$0x7FF] =	sst s3;
	s6 =	sadd.s32 $0x1800, s5;
	s8 =	sadd.s32 $0x4800, s5  }
0xf: {  	s9 =	sadd.s32 $0x6000, s5;
	s13 =	smax.u32 s0, $0x1;
	_ =	strace $0x8000004A  }
0x10: {  	s10 =	sadd.s32 s12, s1;
	s1 =	sadd.s32 s7, s1;
	s7 =	sadd.s32 $0x3000, s5  }
0x11: {  	v0 =	vimm.f32 $0.0e+00;
	s11 =	sadd.s32 s11, s12;
	s10 =	sadd.s32 $0x1600, s10;
	s12 =	sadd.s32 $0x1A200, s1  }
.LBB2_1:
0x12: {  	s31 =	simm.s32 $0xC0;
	s1 =	simm.s32 $0x0  }
.LBB2_2:
0x13: {  	p0 =	sne.s32 s31, $0x5F40;
	[tilespmem:s1+$0x14020] =	vst v0;
	s0 =	smov.u32 s31;
	s31 =	sadd.s32 $0xC0, s31  }
.Ltmp0:
0x14: {  	[tilespmem:s1+$0x14000] =	vst v0;
	(pc) =	sbr.rel @p0 .LBB2_2-.Ltmp0, $2  }
0x15: {  	[tilespmem:s1+$0x14010] =	vst v0;
	_ =	sdelay $0x2  }
0x16: {  	s1 =	sshra.s32 s0, $0x2  }
0x17: {  	[tilespmem:s1+$0x14020] =	vst v0  }
0x18: {  	[tilespmem:s1+$0x14000] =	vst v0  }
0x19: {  	[tilespmem:s1+$0x14010] =	vst v0  }
0x1a: {  	[spmem:s5] =	stream.linear.scatter [tilespmem:s14], [sflag:$0x3], $0x1800, $0x38;
	[tilespmem:$0x1D000] =	vst v63  }
0x1b: {  	_ =	swait.ge [sflag:s15], $0x1800  }
0x1c: {  	[sflag:s15] =	ssyncset.done $0x0  }
0x1d: {  	[sflag:s15] =	ssyncadd.s32 $0xFFFFE800  }
0x1e: {  	[spmem:s6] =	stream.linear.scatter [tilespmem:s14], [sflag:$0x3], $0x1800, $0x38;
	[tilespmem:$0x1D000] =	vst v63  }
0x1f: {  	_ =	swait.ge [sflag:s15], $0x1800  }
0x20: {  	[sflag:s15] =	ssyncset.done $0x0  }
0x21: {  	[sflag:s15] =	ssyncadd.s32 $0xFFFFE800  }
0x22: {  	[spmem:s7] =	stream.linear.scatter [tilespmem:s14], [sflag:$0x3], $0x1800, $0x38;
	[tilespmem:$0x1D000] =	vst v63  }
0x23: {  	_ =	swait.ge [sflag:s15], $0x1800  }
0x24: {  	[sflag:s15] =	ssyncset.done $0x0  }
0x25: {  	[sflag:s15] =	ssyncadd.s32 $0xFFFFE800  }
0x26: {  	[spmem:s8] =	stream.linear.scatter [tilespmem:s14], [sflag:$0x3], $0x1800, $0x38;
	[tilespmem:$0x1D000] =	vst v63  }
0x27: {  	_ =	swait.ge [sflag:s15], $0x1800  }
0x28: {  	[sflag:s15] =	ssyncset.done $0x0  }
0x29: {  	[sflag:s15] =	ssyncadd.s32 $0xFFFFE800  }
0x2a: {  	[spmem:s9] =	stream.linear.scatter [tilespmem:s14], [sflag:$0x3], $0x1800, $0x38;
	[tilespmem:$0x1D000] =	vst v63  }
0x2b: {  	_ =	swait.ge [sflag:s15], $0x1800  }
0x2c: {  	[sflag:s15] =	ssyncset.done $0x0  }
0x2d: {  	[sflag:s15] =	ssyncadd.s32 $0xFFFFE800  }
0x2e: {  	[tilespmem:s3], [sflag:$0x3] =	stream.linear.gather [hbm4b:s10+s3], $0x2800, $0x38;
	[tilespmem:$0x1D000] =	vst v63  }
0x2f: {  	_ =	swait.ge [sflag:s15], $0x2800  }
0x30: {  	[sflag:s15] =	ssyncset.done $0x0  }
0x31: {  	[sflag:s15] =	ssyncadd.s32 $0xFFFFD800  }
0x32: {  	[tilespmem:s16], [sflag:$0x3] =	stream.linear.gather [hbm4b:s11+s3], $0x2800, $0x38;
	[tilespmem:$0x1D000] =	vst v63  }
0x33: {  	_ =	swait.ge [sflag:s15], $0x2800  }
0x34: {  	[sflag:s15] =	ssyncset.done $0x0  }
0x35: {  	[sflag:s15] =	ssyncadd.s32 $0xFFFFD800  }
0x36: {  	[bflag:$0x0] =	sbarrier.arrive $0xFFFF  }
0x37: {  	[tilespmem:s18], [sflag:$0x1] =	stream.indirect.gather [hbm4b:s4+s17], $0x30, s3, s17, $0xb8;
	[tilespmem:$0x1D000] =	vst v63  }
0x38: {  	_ = 	snop  }
0x39: {  	[tilespmem:s19], [sflag:$0x2] =	stream.indirect.gather [hbm4b:s4+s17], $0x30, s17, s17, $0xb8;
	[tilespmem:$0x1D000] =	vst v63  }
0x3a: {  	_ =	swait.ge [sflag:s20], $0x7800  }
0x3b: {  	[sflag:s20] =	ssyncset.done $0x0  }
0x3c: {  	[sflag:s20] =	ssyncadd.s32 $0xFFFF8800  }
0x3d: {  	[spmem:s2] =	stream.indirect.scatter.add.f32 [tilespmem:s18], [sflag:$0x3], $0x30, s16, s17, $0xb8;
	[tilespmem:$0x1D000] =	vst v63  }
0x3e: {  	_ =	swait.ge [sflag:s15], $0x7800  }
0x3f: {  	[sflag:s15] =	ssyncset.done $0x0  }
0x40: {  	s0 =	simm.s32 $0x500;
	[sflag:s15] =	ssyncadd.s32 $0xFFFF8800  }
0x41: {  	[tilespmem:s18], [sflag:$0x1] =	stream.indirect.gather [hbm4b:s4+s17], $0x30, s0, s17, $0xb8;
	[tilespmem:$0x1D000] =	vst v63  }
0x42: {  	_ =	swait.ge [sflag:s22], $0x7800  }
0x43: {  	[sflag:s22] =	ssyncset.done $0x0  }
0x44: {  	s31 =	simm.s32 $0x2A80;
	[sflag:s22] =	ssyncadd.s32 $0xFFFF8800  }
0x45: {  	[spmem:s2] =	stream.indirect.scatter.add.f32 [tilespmem:s19], [sflag:$0x3], $0x30, s31, s17, $0xb8;
	[tilespmem:$0x1D000] =	vst v63  }
0x46: {  	_ =	swait.ge [sflag:s15], $0x7800  }
0x47: {  	[sflag:s15] =	ssyncset.done $0x0  }
0x48: {  	s1 =	simm.s32 $0x780;
	[sflag:s15] =	ssyncadd.s32 $0xFFFF8800  }
0x49: {  	[tilespmem:s19], [sflag:$0x2] =	stream.indirect.gather [hbm4b:s4+s17], $0x30, s1, s17, $0xb8;
	[tilespmem:$0x1D000] =	vst v63  }
0x4a: {  	_ =	swait.ge [sflag:s20], $0x7800  }
0x4b: {  	[sflag:s20] =	ssyncset.done $0x0  }
0x4c: {  	s31 =	simm.s32 $0x2D00;
	[sflag:s20] =	ssyncadd.s32 $0xFFFF8800  }
0x4d: {  	[spmem:s2] =	stream.indirect.scatter.add.f32 [tilespmem:s18], [sflag:$0x3], $0x30, s31, s17, $0xb8;
	[tilespmem:$0x1D000] =	vst v63  }
0x4e: {  	_ =	swait.ge [sflag:s15], $0x7800  }
0x4f: {  	[sflag:s15] =	ssyncset.done $0x0  }
0x50: {  	s1 =	simm.s32 $0xA00;
	[sflag:s15] =	ssyncadd.s32 $0xFFFF8800  }
0x51: {  	[tilespmem:s18], [sflag:$0x1] =	stream.indirect.gather [hbm4b:s4+s17], $0x30, s1, s17, $0xb8;
	[tilespmem:$0x1D000] =	vst v63  }
0x52: {  	_ =	swait.ge [sflag:s22], $0x7800  }
0x53: {  	[sflag:s22] =	ssyncset.done $0x0  }
0x54: {  	s31 =	simm.s32 $0x2F80;
	[sflag:s22] =	ssyncadd.s32 $0xFFFF8800  }
0x55: {  	[spmem:s2] =	stream.indirect.scatter.add.f32 [tilespmem:s19], [sflag:$0x3], $0x30, s31, s17, $0xb8;
	[tilespmem:$0x1D000] =	vst v63  }
0x56: {  	_ =	swait.ge [sflag:s15], $0x7800  }
0x57: {  	[sflag:s15] =	ssyncset.done $0x0  }
0x58: {  	s1 =	simm.s32 $0xC80;
	[sflag:s15] =	ssyncadd.s32 $0xFFFF8800  }
0x59: {  	[tilespmem:s19], [sflag:$0x2] =	stream.indirect.gather [hbm4b:s4+s17], $0x30, s1, s17, $0xb8;
	[tilespmem:$0x1D000] =	vst v63  }
0x5a: {  	_ =	swait.ge [sflag:s20], $0x7800  }
0x5b: {  	[sflag:s20] =	ssyncset.done $0x0  }
0x5c: {  	s31 =	simm.s32 $0x3200;
	[sflag:s20] =	ssyncadd.s32 $0xFFFF8800  }
0x5d: {  	[spmem:s2] =	stream.indirect.scatter.add.f32 [tilespmem:s18], [sflag:$0x3], $0x30, s31, s17, $0xb8;
	[tilespmem:$0x1D000] =	vst v63  }
0x5e: {  	_ =	swait.ge [sflag:s15], $0x7800  }
0x5f: {  	[sflag:s15] =	ssyncset.done $0x0  }
0x60: {  	s1 =	simm.s32 $0xF00;
	[sflag:s15] =	ssyncadd.s32 $0xFFFF8800  }
0x61: {  	[tilespmem:s18], [sflag:$0x1] =	stream.indirect.gather [hbm4b:s4+s17], $0x30, s1, s17, $0xb8;
	[tilespmem:$0x1D000] =	vst v63  }
0x62: {  	_ =	swait.ge [sflag:s22], $0x7800  }
0x63: {  	[sflag:s22] =	ssyncset.done $0x0  }
0x64: {  	s31 =	simm.s32 $0x3480;
	[sflag:s22] =	ssyncadd.s32 $0xFFFF8800  }
0x65: {  	[spmem:s2] =	stream.indirect.scatter.add.f32 [tilespmem:s19], [sflag:$0x3], $0x30, s31, s17, $0xb8;
	[tilespmem:$0x1D000] =	vst v63  }
0x66: {  	_ =	swait.ge [sflag:s15], $0x7800  }
0x67: {  	[sflag:s15] =	ssyncset.done $0x0  }
0x68: {  	s1 =	simm.s32 $0x1180;
	[sflag:s15] =	ssyncadd.s32 $0xFFFF8800  }
0x69: {  	[tilespmem:s19], [sflag:$0x2] =	stream.indirect.gather [hbm4b:s4+s17], $0x30, s1, s17, $0xb8;
	[tilespmem:$0x1D000] =	vst v63  }
0x6a: {  	_ =	swait.ge [sflag:s20], $0x7800  }
0x6b: {  	[sflag:s20] =	ssyncset.done $0x0  }
0x6c: {  	s31 =	simm.s32 $0x3700;
	[sflag:s20] =	ssyncadd.s32 $0xFFFF8800  }
0x6d: {  	[spmem:s2] =	stream.indirect.scatter.add.f32 [tilespmem:s18], [sflag:$0x3], $0x30, s31, s17, $0xb8;
	[tilespmem:$0x1D000] =	vst v63  }
0x6e: {  	_ =	swait.ge [sflag:s15], $0x7800  }
0x6f: {  	[sflag:s15] =	ssyncset.done $0x0  }
0x70: {  	s1 =	simm.s32 $0x1400;
	[sflag:s15] =	ssyncadd.s32 $0xFFFF8800  }
0x71: {  	[tilespmem:s18], [sflag:$0x1] =	stream.indirect.gather [hbm4b:s4+s17], $0x30, s1, s17, $0xb8;
	[tilespmem:$0x1D000] =	vst v63  }
0x72: {  	_ =	swait.ge [sflag:s22], $0x7800  }
0x73: {  	[sflag:s22] =	ssyncset.done $0x0  }
0x74: {  	s31 =	simm.s32 $0x3980;
	[sflag:s22] =	ssyncadd.s32 $0xFFFF8800  }
0x75: {  	[spmem:s2] =	stream.indirect.scatter.add.f32 [tilespmem:s19], [sflag:$0x3], $0x30, s31, s17, $0xb8;
	[tilespmem:$0x1D000] =	vst v63  }
0x76: {  	_ =	swait.ge [sflag:s15], $0x7800  }
0x77: {  	[sflag:s15] =	ssyncset.done $0x0  }
0x78: {  	s1 =	simm.s32 $0x1680;
	[sflag:s15] =	ssyncadd.s32 $0xFFFF8800  }
0x79: {  	[tilespmem:s19], [sflag:$0x2] =	stream.indirect.gather [hbm4b:s4+s17], $0x30, s1, s17, $0xb8;
	[tilespmem:$0x1D000] =	vst v63  }
0x7a: {  	_ =	swait.ge [sflag:s20], $0x7800  }
0x7b: {  	[sflag:s20] =	ssyncset.done $0x0  }
0x7c: {  	s31 =	simm.s32 $0x3C00;
	[sflag:s20] =	ssyncadd.s32 $0xFFFF8800  }
0x7d: {  	[spmem:s2] =	stream.indirect.scatter.add.f32 [tilespmem:s18], [sflag:$0x3], $0x30, s31, s17, $0xb8;
	[tilespmem:$0x1D000] =	vst v63  }
0x7e: {  	_ =	swait.ge [sflag:s15], $0x7800  }
0x7f: {  	[sflag:s15] =	ssyncset.done $0x0  }
0x80: {  	s1 =	simm.s32 $0x1900;
	[sflag:s15] =	ssyncadd.s32 $0xFFFF8800  }
0x81: {  	[tilespmem:s18], [sflag:$0x1] =	stream.indirect.gather [hbm4b:s4+s17], $0x30, s1, s17, $0xb8;
	[tilespmem:$0x1D000] =	vst v63  }
0x82: {  	_ =	swait.ge [sflag:s22], $0x7800  }
0x83: {  	[sflag:s22] =	ssyncset.done $0x0  }
0x84: {  	s31 =	simm.s32 $0x3E80;
	[sflag:s22] =	ssyncadd.s32 $0xFFFF8800  }
0x85: {  	[spmem:s2] =	stream.indirect.scatter.add.f32 [tilespmem:s19], [sflag:$0x3], $0x30, s31, s17, $0xb8;
	[tilespmem:$0x1D000] =	vst v63  }
0x86: {  	_ =	swait.ge [sflag:s15], $0x7800  }
0x87: {  	[sflag:s15] =	ssyncset.done $0x0  }
0x88: {  	s1 =	simm.s32 $0x1B80;
	[sflag:s15] =	ssyncadd.s32 $0xFFFF8800  }
0x89: {  	[tilespmem:s19], [sflag:$0x2] =	stream.indirect.gather [hbm4b:s4+s17], $0x30, s1, s17, $0xb8;
	[tilespmem:$0x1D000] =	vst v63  }
0x8a: {  	_ =	swait.ge [sflag:s20], $0x7800  }
0x8b: {  	[sflag:s20] =	ssyncset.done $0x0  }
0x8c: {  	s31 =	simm.s32 $0x4100;
	[sflag:s20] =	ssyncadd.s32 $0xFFFF8800  }
0x8d: {  	[spmem:s2] =	stream.indirect.scatter.add.f32 [tilespmem:s18], [sflag:$0x3], $0x30, s31, s17, $0xb8;
	[tilespmem:$0x1D000] =	vst v63  }
0x8e: {  	_ =	swait.ge [sflag:s15], $0x7800  }
0x8f: {  	[sflag:s15] =	ssyncset.done $0x0  }
0x90: {  	s1 =	simm.s32 $0x1E00;
	[sflag:s15] =	ssyncadd.s32 $0xFFFF8800  }
0x91: {  	[tilespmem:s18], [sflag:$0x1] =	stream.indirect.gather [hbm4b:s4+s17], $0x30, s1, s17, $0xb8;
	[tilespmem:$0x1D000] =	vst v63  }
0x92: {  	_ =	swait.ge [sflag:s22], $0x7800  }
0x93: {  	[sflag:s22] =	ssyncset.done $0x0  }
0x94: {  	s31 =	simm.s32 $0x4380;
	[sflag:s22] =	ssyncadd.s32 $0xFFFF8800  }
0x95: {  	[spmem:s2] =	stream.indirect.scatter.add.f32 [tilespmem:s19], [sflag:$0x3], $0x30, s31, s17, $0xb8;
	[tilespmem:$0x1D000] =	vst v63  }
0x96: {  	_ =	swait.ge [sflag:s15], $0x7800  }
0x97: {  	[sflag:s15] =	ssyncset.done $0x0  }
0x98: {  	[sflag:s15] =	ssyncadd.s32 $0xFFFF8800  }
0x99: {  	[tilespmem:s19], [sflag:$0x2] =	stream.indirect.gather [hbm4b:s4+s17], $0x30, s21, s17, $0xb8;
	[tilespmem:$0x1D000] =	vst v63  }
0x9a: {  	_ =	swait.ge [sflag:s20], $0x7800  }
0x9b: {  	[sflag:s20] =	ssyncset.done $0x0  }
0x9c: {  	[sflag:s20] =	ssyncadd.s32 $0xFFFF8800  }
0x9d: {  	[spmem:s2] =	stream.indirect.scatter.add.f32 [tilespmem:s18], [sflag:$0x3], $0x30, s23, s17, $0xb8;
	[tilespmem:$0x1D000] =	vst v63  }
0x9e: {  	_ =	swait.ge [sflag:s15], $0x7800  }
0x9f: {  	[sflag:s15] =	ssyncset.done $0x0  }
0xa0: {  	[sflag:s15] =	ssyncadd.s32 $0xFFFF8800  }
0xa1: {  	[tilespmem:s18], [sflag:$0x1] =	stream.indirect.gather [hbm4b:s4+s17], $0x30, s24, s17, $0xb8;
	[tilespmem:$0x1D000] =	vst v63  }
0xa2: {  	_ =	swait.ge [sflag:s22], $0x7800  }
0xa3: {  	[sflag:s22] =	ssyncset.done $0x0  }
0xa4: {  	[sflag:s22] =	ssyncadd.s32 $0xFFFF8800  }
0xa5: {  	[spmem:s2] =	stream.indirect.scatter.add.f32 [tilespmem:s19], [sflag:$0x3], $0x30, s25, s17, $0xb8;
	[tilespmem:$0x1D000] =	vst v63  }
0xa6: {  	_ =	swait.ge [sflag:s15], $0x7800  }
0xa7: {  	[sflag:s15] =	ssyncset.done $0x0  }
0xa8: {  	[sflag:s15] =	ssyncadd.s32 $0xFFFF8800  }
0xa9: {  	[tilespmem:s19], [sflag:$0x2] =	stream.indirect.gather [hbm4b:s4+s17], $0x30, s26, s17, $0xb8;
	[tilespmem:$0x1D000] =	vst v63  }
0xaa: {  	_ =	swait.ge [sflag:s20], $0x7800  }
0xab: {  	[sflag:s20] =	ssyncset.done $0x0  }
0xac: {  	[sflag:s20] =	ssyncadd.s32 $0xFFFF8800  }
0xad: {  	[spmem:s2] =	stream.indirect.scatter.add.f32 [tilespmem:s18], [sflag:$0x3], $0x30, s28, s17, $0xb8;
	[tilespmem:$0x1D000] =	vst v63  }
0xae: {  	_ =	swait.ge [sflag:s15], $0x7800  }
0xaf: {  	[sflag:s15] =	ssyncset.done $0x0  }
0xb0: {  	[sflag:s15] =	ssyncadd.s32 $0xFFFF8800  }
0xb1: {  	_ =	swait.ge [sflag:s22], $0x7800  }
0xb2: {  	[sflag:s22] =	ssyncset.done $0x0  }
0xb3: {  	[sflag:s22] =	ssyncadd.s32 $0xFFFF8800  }
0xb4: {  	[spmem:s2] =	stream.indirect.scatter.add.f32 [tilespmem:s19], [sflag:$0x3], $0x30, s29, s17, $0xb8;
	[tilespmem:$0x1D000] =	vst v63  }
0xb5: {  	s1 =	stileid.u32;
	_ =	swait.ge [sflag:s15], $0x7800  }
0xb6: {  	s30 =	sadd.s32 $0x1, s30;
	s0 =	sshll.u32 s1, $0x6;
	[sflag:s15] =	ssyncset.done $0x0  }
0xb7: {  	p0 =	sne.s32 s30, s13;
	s0 =	sor.u32 $0x1C03, s0;
	[sflag:s15] =	ssyncadd.s32 $0xFFFF8800  }
.Ltmp1:
0xb8: {  	s31 =	sshrl.u32 s5, $0x3;
	[bflag:$0x0] =	sbarrier.arrive $0xFFFF;
	(pc) =	sbr.rel @p0 .LBB2_1-.Ltmp1, $4  }
0xb9: {  	[hbm:s12], [sflag:s0] =	dma.local [spmem:s31], $0xF00  }
0xba: {  	_ =	swait.ge [sflag:s15], $0xF00  }
0xbb: {  	[sflag:s15] =	ssyncset.done $0x0  }
0xbc: {  	[sflag:s15] =	ssyncadd.s32 $0xFFFFF100  }
0xbd: {  	_ =	sfence.sel $0x180000  }
0xbe: {  	[bflag:$0x0] =	sbarrier.arrive $0xFFFF  }
0xbf: {  	_ =	strace $0x9000004A  }
0xc0: {  	s0 =	stileid.u32;
	[bflag:$0x2] =	sbarrier.arrive $0xFFFF  }
0xc1: {  	p0 =	sne.s32 s0, $0x0;
	s0 =	rddreg [dreg:$0x3]  }
0xc2: {  	s0 =	sadd.s32 @!p0 $0x100000, s0  }
0xc3: {  	[sflag:s0] =	ssyncadd.tile.s32 @!p0 $0x1;
	_ =	shalt  }
.Lfunc_end2:
_tile_overlayer_lowered:
.L_overlay_start_2:
0xc4: {  	(tag) =	ssettag $0x2  }
0xc5: {  	s0 =	rddreg [dreg:$0x0];
	s2 =	stileid.u32  }
0xc6: {  	s1 =	rddreg [dreg:$0x1];
	p0 =	sne.s32 s2, $0x0  }
0xc7: {  	s3 =	rddreg [dreg:$0x2];
	[bflag:$0x3] =	sbarrier.arrive $0xFFFF;
	s2 =	simm.s32 @!p0 $0x1C03  }
0xc8: {  	[timem:s3], [sflag:s2] =	dma.local @!p0 [hbm:s0], s1  }
0xc9: {  	s0 =	simm.s32 @!p0 $0x3  }
0xca: {  	_ =	swait.ge @!p0 [sflag:s0], s1  }
0xcb: {  	s1 =	ssub.s32 @!p0 $0x0, s1;
	[sflag:s0] =	ssyncset.done @!p0 $0x0  }
0xcc: {  	[sflag:s0] =	ssyncadd.s32 @!p0 s1  }
0xcd: {  	[bflag:$0x3] =	sbarrier.arrive $0xFFFF  }
0xce: {  	_ =	shalt  }

// kernel: kernel.14.cloned.1.call-start
scs
__scs_entry_jumppad:
0x0: {  	(pc) =	sbr.rel $0x88, $3  }
0x1: {  	(tag) =	ssettag $0x0;
	lr =	simm.s32 $0x1  }
0x2: {  	[smem:$0x3F9B] =	sst lr;
	_ =	strace $0xD0000000  }
0x3: {  	_ = 	snop  }
0x4: {  	_ = 	snop  }
0x5: {  	_ = 	snop  }
0x6: {  	_ = 	snop  }
0x7: {  	_ = 	snop  }
__scs_overlays_trampoline_lowered:
0x8: {  	[smem:$0x3FAA] =	sst s0  }
0x9: {  	[smem:$0x3FAB] =	sst s1  }
0xa: {  	[smem:$0x3FAC] =	sst s2  }
0xb: {  	[smem:$0x3FAD] =	sst s3  }
0xc: {  	[smem:$0x3FAE] =	sst s4  }
0xd: {  	[smem:$0x3FAF] =	sst s5  }
0xe: {  	[smem:$0x3FB0] =	sst s6  }
0xf: {  	[smem:$0x3FB1] =	sst s7  }
0x10: {  	[smem:$0x3FB2] =	sst s8  }
0x11: {  	[smem:$0x3FB3] =	sst s9;
	s0 =	simm.s32 @!p0 $0x0  }
0x12: {  	s1 =	sld [smem:$0x3F99];
	s0 =	simm.s32 @p0 $0x1  }
0x13: {  	[smem:$0x3FB4] =	sst s0;
	s0 =	simm.s32 @!p1 $0x0  }
0x14: {  	s2 =	sld [smem:$0x3F98];
	s0 =	simm.s32 @p1 $0x1  }
0x15: {  	[smem:$0x3FB5] =	sst s0;
	s0 =	simm.s32 @!p2 $0x0  }
0x16: {  	s3 =	sld [smem:$0x3FDB];
	s0 =	simm.s32 @p2 $0x1  }
0x17: {  	s4 =	simm.s32 $0x1BF5;
	[smem:$0x3FB7] =	sst s0  }
0x18: {  	s0 =	sld [smem:$0x3F9A];
	_ =	swait.ge [sflag:s4], $0x0  }
0x19: {  	s7 =	sld [smem:$0x3F9B]  }
0x1a: {  	s8 =	sadd.s32 $0xFFFFE003, lr  }
0x1b: {  	s9 =	sadd.s32 $0xFFFFFEF7, lr;
	s5 =	simm.s32 $0xFFFFFFFF;
	p2 =	slt.u32 s8, $0xFFFFF086  }
0x1c: {  	p1 =	slt.u32 s9, $0xF7A;
	s5 =	simm.s32 @!p2 $0x0  }
0x1d: {  	s5 =	simm.s32 @p1 $0x1;
	p0 =	seq.s32 s7, s2  }
0x1e: {  	s7 =	smul.u32 @!p0 $0xF7A, s2;
	p2 =	seq.s32 @!p0 s5, $0x0  }
0x1f: {  	s9 =	smul.u32 $0xF7A, s1;
	s8 =	simm.s32 @!p0 $0x1BF5;
	p2 =	por !p2, p0  }
0x20: {  	[sflag:s8] =	ssyncset.s32 @!p0 $0xFFFFF086;
	s6 =	sadd.s32 @!p0 s3, s7;
	s7 =	simm.s32 @!p0 $0x108  }
0x21: {  	s3 =	sadd.s32 s3, s9;
	s6 =	sadd.s32 @!p0 $0x88, s6;
	s7 =	simm.s32 @p2 $0x1082  }
0x22: {  	[simem:s7], [sflag:s8] =	dma.local @!p0 [hbm:s6], $0xF7A  }
0x23: {  	s9 =	sor.u32 $0xD0000000, s2;
	s6 =	simm.s32 $0x108;
	_ =	swait.ge @!p0 [sflag:s8], $0x0  }
0x24: {  	s3 =	sadd.s32 $0x88, s3;
	s6 =	simm.s32 @!p1 $0x1082;
	[sflag:s4] =	ssyncset.s32 $0xFFFFF086  }
0x25: {  	[simem:s6], [sflag:s4] =	dma.local [hbm:s3], $0xF7A  }
0x26: {  	[smem:$0x3F9B] =	sst s1;
	(tag) =	ssettag s2;
	_ =	strace s9  }
0x27: {  	s1 =	sld [smem:$0x3FAB]  }
0x28: {  	s2 =	sld [smem:$0x3FAC]  }
0x29: {  	s4 =	sld [smem:$0x3FAE]  }
0x2a: {  	p0 =	seq.s32 s5, $0x0;
	s5 =	sld [smem:$0x3FAF]  }
0x2b: {  	s6 =	sld [smem:$0x3FB0]  }
0x2c: {  	s7 =	sld [smem:$0x3FB1]  }
0x2d: {  	s3 =	simm.s32 $0x108;
	s8 =	sld [smem:$0x3FB2]  }
0x2e: {  	s3 =	simm.s32 @!p0 $0x1082;
	s9 =	sld [smem:$0x3FB3]  }
0x2f: {  	lr =	sadd.s32 s0, s3;
	s0 =	sld [smem:$0x3FAA]  }
0x30: {  	s3 =	sld [smem:$0x3FAD]  }
0x31: {  	[smem:$0x3FB6] =	sst s10  }
0x32: {  	s10 =	sld [smem:$0x3FB4];
	_ =	sdelay $0x3  }
0x33: {  	p0 =	seq.s32 s10, $0x1;
	s10 =	sld [smem:$0x3FB6];
	_ =	sdelay $0x3  }
0x34: {  	[smem:$0x3FB6] =	sst s10  }
0x35: {  	s10 =	sld [smem:$0x3FB5];
	_ =	sdelay $0x3  }
0x36: {  	p1 =	seq.s32 s10, $0x1;
	s10 =	sld [smem:$0x3FB6];
	_ =	sdelay $0x3  }
0x37: {  	[smem:$0x3FB6] =	sst s10  }
0x38: {  	s10 =	sld [smem:$0x3FB7]  }
0x39: {  	_ = 	snop;
	(pc) =	sbr.ind lr, $3  }
0x3a: {  	_ = 	snop  }
0x3b: {  	_ = 	snop  }
0x3c: {  	p2 =	seq.s32 s10, $0x1;
	s10 =	sld [smem:$0x3FB6]  }
0x3d: {  	_ =	shalt  }
0x3e: {  	_ =	shalt  }
0x3f: {  	_ =	shalt  }
0x40: {  	_ =	shalt  }
0x41: {  	_ =	shalt  }
0x42: {  	_ =	shalt  }
0x43: {  	_ =	shalt  }
0x44: {  	_ =	shalt  }
0x45: {  	_ =	shalt  }
0x46: {  	_ =	shalt  }
0x47: {  	_ =	shalt  }
0x48: {  	_ =	shalt  }
0x49: {  	_ =	shalt  }
0x4a: {  	_ =	shalt  }
0x4b: {  	_ =	shalt  }
0x4c: {  	_ =	shalt  }
0x4d: {  	_ =	shalt  }
0x4e: {  	_ =	shalt  }
0x4f: {  	_ =	shalt  }
0x50: {  	_ =	shalt  }
0x51: {  	_ =	shalt  }
0x52: {  	_ =	shalt  }
0x53: {  	_ =	shalt  }
0x54: {  	_ =	shalt  }
0x55: {  	_ =	shalt  }
0x56: {  	_ =	shalt  }
0x57: {  	_ =	shalt  }
0x58: {  	_ =	shalt  }
0x59: {  	_ =	shalt  }
0x5a: {  	_ =	shalt  }
0x5b: {  	_ =	shalt  }
0x5c: {  	_ =	shalt  }
0x5d: {  	_ =	shalt  }
0x5e: {  	_ =	shalt  }
0x5f: {  	_ =	shalt  }
0x60: {  	_ =	shalt  }
0x61: {  	_ =	shalt  }
0x62: {  	_ =	shalt  }
0x63: {  	_ =	shalt  }
0x64: {  	_ =	shalt  }
0x65: {  	_ =	shalt  }
0x66: {  	_ =	shalt  }
0x67: {  	_ =	shalt  }
0x68: {  	_ =	shalt  }
0x69: {  	_ =	shalt  }
0x6a: {  	_ =	shalt  }
0x6b: {  	_ =	shalt  }
0x6c: {  	_ =	shalt  }
0x6d: {  	_ =	shalt  }
0x6e: {  	_ =	shalt  }
0x6f: {  	_ =	shalt  }
0x70: {  	_ =	shalt  }
0x71: {  	_ =	shalt  }
0x72: {  	_ =	shalt  }
0x73: {  	_ =	shalt  }
0x74: {  	_ =	shalt  }
0x75: {  	_ =	shalt  }
0x76: {  	_ =	shalt  }
0x77: {  	_ =	shalt  }
0x78: {  	_ =	shalt  }
0x79: {  	_ =	shalt  }
0x7a: {  	_ =	shalt  }
0x7b: {  	_ =	shalt  }
0x7c: {  	_ =	shalt  }
0x7d: {  	_ =	shalt  }
0x7e: {  	_ =	shalt  }
0x7f: {  	_ =	shalt  }
0x80: {  	_ =	shalt  }
0x81: {  	_ =	shalt  }
0x82: {  	_ =	shalt  }
0x83: {  	_ =	shalt  }
0x84: {  	_ =	shalt  }
0x85: {  	_ =	shalt  }
0x86: {  	_ =	shalt  }
0x87: {  	_ =	shalt  }
.Lfunc_end0:
.L_simem_size_0:
called_computation.2_lowered:
.L_overlay_start_0:
0x88: {  	s2 =	sld [smem:$0x3FD9]  }
0x89: {  	s3 =	sld [smem:$0x3FFE];
	_ =	sdelay $0x1  }
0x8a: {  	s1 =	srdreg.scid  }
0x8b: {  	s0 =	sand.u32 $0x1, s1  }
0x8c: {  	s17 =	sshll.u32 s0, $0xA;
	s2 =	sadd.s32 s3, s2  }
0x8d: {  	s2 =	sadd.s32 s2, s17  }
0x8e: {  	[smem:$0x3FC2] =	sst s2  }
0x8f: {  	_ = 	snop  }
0x90: {  	s2 =	sld [smem:$0x3FD0];
	(tm) =	ssettm $0x1  }
0x91: {  	s18 =	sld [smem:$0x3FFB];
	_ =	sdelay $0x3  }
0x92: {  	_ =	strace s18  }
0x93: {  	s3 =	sld [smem:$0x3FFC];
	_ =	sdelay $0x3  }
0x94: {  	_ =	strace s3  }
0x95: {  	s3 =	sld [smem:$0x3FFD];
	_ =	sdelay $0x3  }
0x96: {  	_ =	strace s3  }
0x97: {  	_ =	strace $0x8FFFFFFF  }
0x98: {  	s19 =	sld [smem:$0x3FDB];
	_ =	sdelay $0x1  }
0x99: {  	s4 =	simm.s32 $_scs_section_size  }
0x9a: {  	s5 =	simm.s32 $_size__tile_overlayer_lowered;
	s6 =	simm.s32 $_tile_overlayer_lowered  }
0x9b: {  	s22 =	simm.s32 $0x1BFF;
	s21 =	sshll.u32 s6, $0x1;
	s3 =	sadd.s32 s4, s19  }
0x9c: {  	s7 =	simm.s32 $0x0;
	s20 =	sshll.u32 s5, $0x1;
	s5 =	sadd.s32 s21, s3  }
0x9d: {  	[timem:s7], [sflag:s22] =	dma.local [hbm:s5], s20  }
0x9e: {  	_ =	swait.ge [sflag:s22], s20  }
0x9f: {  	s4 =	ssub.s32 $0x0, s20;
	[sflag:s22] =	ssyncset.done $0x0  }
0xa0: {  	[sflag:s22] =	ssyncadd.s32 s4;
	_ =	sdelay $0x1  }
0xa1: {  	s23 =	simm.s32 $0x1B8B  }
0xa2: {  	_ =	swait.ge [sflag:s23], $0x1  }
0xa3: {  	[sflag:s23] =	ssyncset.done $0x0  }
0xa4: {  	s25 =	simm.s32 $0x1B8E;
	s24 =	sld [smem:$0x3FFE];
	[sflag:s23] =	ssyncadd.s32 $0xFFFFFFFF  }
0xa5: {  	s26 =	simm.s32 $execute0_lowered;
	[smem:$0x3FD2] =	sst s25  }
0xa6: {  	s5 =	sshll.u32 s26, $0x1;
	_ =	strace $0x8000004C;
	[dreg:$0x1] =	wrdreg $0xFFFFFFFF  }
0xa7: {  	s28 =	simm.s32 $_size_execute0_lowered;
	s3 =	sadd.s32 s3, s5;
	[dreg:$0x0] =	wrdreg $0x0  }
0xa8: {  	s5 =	sshll.u32 s28, $0x1;
	[dreg:$0x2] =	wrdreg s3  }
0xa9: {  	[dreg:$0x3] =	wrdreg s5  }
0xaa: {  	[dreg:$0x4] =	wrdreg $0xC0  }
0xab: {  	_ =	task [dreg:s7], $0x5FFFF  }
0xac: {  	[dreg:$0x1] =	wrdreg $0xFFFFFFFF  }
0xad: {  	[dreg:$0x0] =	wrdreg $0x60  }
0xae: {  	[dreg:$0x2] =	wrdreg s24  }
0xaf: {  	[dreg:$0x3] =	wrdreg s2  }
0xb0: {  	[dreg:$0x4] =	wrdreg $0x158000  }
0xb1: {  	[dreg:$0x5] =	wrdreg $0x9  }
0xb2: {  	_ =	task.clear_ibuf [dreg:s7], $0x6FFFF;
	_ =	strace $0x9000004C  }
0xb3: {  	s29 =	simm.s32 $0x9;
	_ =	strace $0x8000004E  }
0xb4: {  	_ =	swait.ge [sflag:s29], $0x1  }
0xb5: {  	[sflag:s29] =	ssyncadd.s32 $0xFFFFFFFF  }
0xb6: {  	_ =	strace $0x9000004E  }
0xb7: {  	_ =	sfence  }
0xb8: {  	s30 =	sld [smem:$0x0];
	_ =	sdelay $0x2  }
0xb9: {  	s31 =	sshll.u32 s1, $0xD;
	s1 =	sshrl.u32 s1, $0x2  }
0xba: {  	s3 =	sand.u32 $0x4000, s31;
	s1 =	sadd.s32 s1, s30  }
0xbb: {  	s0 =	sor.u32 s3, s0;
	s1 =	sshll.u32 s1, $0x11  }
0xbc: {  	s0 =	sor.u32 s1, s0  }
0xbd: {  	s0 =	sadd.s32 $0x8F2B, s0  }
0xbe: {  	[sflag:s0] =	ssyncadd.remote.s32 $0x1  }
0xbf: {  	_ =	sfence.sel $0xFFFF  }
0xc0: {  	[dreg:$0x0] =	wrdreg $0xFFFFFFFF;
	(pc) =	sbr.abs _section_cstart, $3  }
0xc1: {  	[dreg:$0x1] =	wrdreg $0xFFFFFFFF  }
0xc2: {  	_ =	task.clear_ibuf [dreg:s7], $0x2FFFF;
	_ =	strace $0x9FFFFFFF  }
0xc3: {  	(tm) =	ssettm $0x7FFFFFFF  }
tec
execute0_lowered:
.L_overlay_start_1:
0x0: {  	(tag) =	ssettag $0x1  }
0x1: {  	s0 =	srdreg.scid  }
0x2: {  	s1 =	rddreg [dreg:$0x0];
	s4 =	stileid.u32  }
0x3: {  	s11 =	rddreg [dreg:$0x1];
	s14 =	simm.s32 $0x14000;
	s15 =	simm.s32 $0x3  }
0x4: {  	s16 =	simm.s32 $0x2800;
	s17 =	simm.s32 $0x280;
	s18 =	simm.s32 $0x5000  }
0x5: {  	s19 =	simm.s32 $0xC800;
	s20 =	simm.s32 $0x1;
	s22 =	simm.s32 $0x2  }
0x6: {  	s21 =	simm.s32 $0x2080;
	s23 =	simm.s32 $0x4600;
	s24 =	simm.s32 $0x2300  }
0x7: {  	s25 =	simm.s32 $0x4880;
	s26 =	simm.s32 $0x2580;
	s28 =	simm.s32 $0x4B00  }
0x8: {  	s29 =	simm.s32 $0x4D80;
	s0 =	sand.u32 $0x1, s0;
	s5 =	smul.u32 $0xF00, s4  }
0x9: {  	s30 =	simm.s32 $0x0;
	s6 =	smul.u32 $0x1E000, s4;
	s2 =	sshll.u32 s0, $0x4  }
0xa: {  	s7 =	smul.u32 $0xF000, s0;
	s0 =	ssub.s32 $0x2, s0;
	s3 =	sor.u32 s4, s2  }
0xb: {  	s2 =	rddreg [dreg:$0x2];
	s4 =	sadd.s32 $0xB600, s1;
	s6 =	sshrl.u32 s6, $0x2  }
0xc: {  	s8 =	sshrl.u32 s0, $0x1;
	s12 =	smul.u32 $0x500, s3;
	s3 =	simm.s32 $0x0  }
0xd: {  	s7 =	sadd.s32 s5, s7;
	s5 =	sadd.s32 s6, s2;
	s0 =	ssub.s32 s0, s8  }
0xe: {  	[smem:$0x7FF] =	sst s3;
	s6 =	sadd.s32 $0x1800, s5;
	s8 =	sadd.s32 $0x4800, s5  }
0xf: {  	s9 =	sadd.s32 $0x6000, s5;
	s13 =	smax.u32 s0, $0x1;
	_ =	strace $0x8000004D  }
0x10: {  	s10 =	sadd.s32 s12, s1;
	s1 =	sadd.s32 s7, s1;
	s7 =	sadd.s32 $0x3000, s5  }
0x11: {  	v0 =	vimm.f32 $0.0e+00;
	s11 =	sadd.s32 s11, s12;
	s10 =	sadd.s32 $0x1600, s10;
	s12 =	sadd.s32 $0x1A200, s1  }
.LBB2_1:
0x12: {  	s31 =	simm.s32 $0xC0;
	s1 =	simm.s32 $0x0  }
.LBB2_2:
0x13: {  	p0 =	sne.s32 s31, $0x5F40;
	[tilespmem:s1+$0x14020] =	vst v0;
	s0 =	smov.u32 s31;
	s31 =	sadd.s32 $0xC0, s31  }
.Ltmp0:
0x14: {  	[tilespmem:s1+$0x14000] =	vst v0;
	(pc) =	sbr.rel @p0 .LBB2_2-.Ltmp0, $2  }
0x15: {  	[tilespmem:s1+$0x14010] =	vst v0;
	_ =	sdelay $0x2  }
0x16: {  	s1 =	sshra.s32 s0, $0x2  }
0x17: {  	[tilespmem:s1+$0x14020] =	vst v0  }
0x18: {  	[tilespmem:s1+$0x14000] =	vst v0  }
0x19: {  	[tilespmem:s1+$0x14010] =	vst v0  }
0x1a: {  	[spmem:s5] =	stream.linear.scatter [tilespmem:s14], [sflag:$0x3], $0x1800, $0x38;
	[tilespmem:$0x1D000] =	vst v63  }
0x1b: {  	_ =	swait.ge [sflag:s15], $0x1800  }
0x1c: {  	[sflag:s15] =	ssyncset.done $0x0  }
0x1d: {  	[sflag:s15] =	ssyncadd.s32 $0xFFFFE800  }
0x1e: {  	[spmem:s6] =	stream.linear.scatter [tilespmem:s14], [sflag:$0x3], $0x1800, $0x38;
	[tilespmem:$0x1D000] =	vst v63  }
0x1f: {  	_ =	swait.ge [sflag:s15], $0x1800  }
0x20: {  	[sflag:s15] =	ssyncset.done $0x0  }
0x21: {  	[sflag:s15] =	ssyncadd.s32 $0xFFFFE800  }
0x22: {  	[spmem:s7] =	stream.linear.scatter [tilespmem:s14], [sflag:$0x3], $0x1800, $0x38;
	[tilespmem:$0x1D000] =	vst v63  }
0x23: {  	_ =	swait.ge [sflag:s15], $0x1800  }
0x24: {  	[sflag:s15] =	ssyncset.done $0x0  }
0x25: {  	[sflag:s15] =	ssyncadd.s32 $0xFFFFE800  }
0x26: {  	[spmem:s8] =	stream.linear.scatter [tilespmem:s14], [sflag:$0x3], $0x1800, $0x38;
	[tilespmem:$0x1D000] =	vst v63  }
0x27: {  	_ =	swait.ge [sflag:s15], $0x1800  }
0x28: {  	[sflag:s15] =	ssyncset.done $0x0  }
0x29: {  	[sflag:s15] =	ssyncadd.s32 $0xFFFFE800  }
0x2a: {  	[spmem:s9] =	stream.linear.scatter [tilespmem:s14], [sflag:$0x3], $0x1800, $0x38;
	[tilespmem:$0x1D000] =	vst v63  }
0x2b: {  	_ =	swait.ge [sflag:s15], $0x1800  }
0x2c: {  	[sflag:s15] =	ssyncset.done $0x0  }
0x2d: {  	[sflag:s15] =	ssyncadd.s32 $0xFFFFE800  }
0x2e: {  	[tilespmem:s3], [sflag:$0x3] =	stream.linear.gather [hbm4b:s10+s3], $0x2800, $0x38;
	[tilespmem:$0x1D000] =	vst v63  }
0x2f: {  	_ =	swait.ge [sflag:s15], $0x2800  }
0x30: {  	[sflag:s15] =	ssyncset.done $0x0  }
0x31: {  	[sflag:s15] =	ssyncadd.s32 $0xFFFFD800  }
0x32: {  	[tilespmem:s16], [sflag:$0x3] =	stream.linear.gather [hbm4b:s11+s3], $0x2800, $0x38;
	[tilespmem:$0x1D000] =	vst v63  }
0x33: {  	_ =	swait.ge [sflag:s15], $0x2800  }
0x34: {  	[sflag:s15] =	ssyncset.done $0x0  }
0x35: {  	[sflag:s15] =	ssyncadd.s32 $0xFFFFD800  }
0x36: {  	[bflag:$0x0] =	sbarrier.arrive $0xFFFF  }
0x37: {  	[tilespmem:s18], [sflag:$0x1] =	stream.indirect.gather [hbm4b:s4+s17], $0x30, s3, s17, $0xb8;
	[tilespmem:$0x1D000] =	vst v63  }
0x38: {  	_ = 	snop  }
0x39: {  	[tilespmem:s19], [sflag:$0x2] =	stream.indirect.gather [hbm4b:s4+s17], $0x30, s17, s17, $0xb8;
	[tilespmem:$0x1D000] =	vst v63  }
0x3a: {  	_ =	swait.ge [sflag:s20], $0x7800  }
0x3b: {  	[sflag:s20] =	ssyncset.done $0x0  }
0x3c: {  	[sflag:s20] =	ssyncadd.s32 $0xFFFF8800  }
0x3d: {  	[spmem:s2] =	stream.indirect.scatter.add.f32 [tilespmem:s18], [sflag:$0x3], $0x30, s16, s17, $0xb8;
	[tilespmem:$0x1D000] =	vst v63  }
0x3e: {  	_ =	swait.ge [sflag:s15], $0x7800  }
0x3f: {  	[sflag:s15] =	ssyncset.done $0x0  }
0x40: {  	s0 =	simm.s32 $0x500;
	[sflag:s15] =	ssyncadd.s32 $0xFFFF8800  }
0x41: {  	[tilespmem:s18], [sflag:$0x1] =	stream.indirect.gather [hbm4b:s4+s17], $0x30, s0, s17, $0xb8;
	[tilespmem:$0x1D000] =	vst v63  }
0x42: {  	_ =	swait.ge [sflag:s22], $0x7800  }
0x43: {  	[sflag:s22] =	ssyncset.done $0x0  }
0x44: {  	s31 =	simm.s32 $0x2A80;
	[sflag:s22] =	ssyncadd.s32 $0xFFFF8800  }
0x45: {  	[spmem:s2] =	stream.indirect.scatter.add.f32 [tilespmem:s19], [sflag:$0x3], $0x30, s31, s17, $0xb8;
	[tilespmem:$0x1D000] =	vst v63  }
0x46: {  	_ =	swait.ge [sflag:s15], $0x7800  }
0x47: {  	[sflag:s15] =	ssyncset.done $0x0  }
0x48: {  	s1 =	simm.s32 $0x780;
	[sflag:s15] =	ssyncadd.s32 $0xFFFF8800  }
0x49: {  	[tilespmem:s19], [sflag:$0x2] =	stream.indirect.gather [hbm4b:s4+s17], $0x30, s1, s17, $0xb8;
	[tilespmem:$0x1D000] =	vst v63  }
0x4a: {  	_ =	swait.ge [sflag:s20], $0x7800  }
0x4b: {  	[sflag:s20] =	ssyncset.done $0x0  }
0x4c: {  	s31 =	simm.s32 $0x2D00;
	[sflag:s20] =	ssyncadd.s32 $0xFFFF8800  }
0x4d: {  	[spmem:s2] =	stream.indirect.scatter.add.f32 [tilespmem:s18], [sflag:$0x3], $0x30, s31, s17, $0xb8;
	[tilespmem:$0x1D000] =	vst v63  }
0x4e: {  	_ =	swait.ge [sflag:s15], $0x7800  }
0x4f: {  	[sflag:s15] =	ssyncset.done $0x0  }
0x50: {  	s1 =	simm.s32 $0xA00;
	[sflag:s15] =	ssyncadd.s32 $0xFFFF8800  }
0x51: {  	[tilespmem:s18], [sflag:$0x1] =	stream.indirect.gather [hbm4b:s4+s17], $0x30, s1, s17, $0xb8;
	[tilespmem:$0x1D000] =	vst v63  }
0x52: {  	_ =	swait.ge [sflag:s22], $0x7800  }
0x53: {  	[sflag:s22] =	ssyncset.done $0x0  }
0x54: {  	s31 =	simm.s32 $0x2F80;
	[sflag:s22] =	ssyncadd.s32 $0xFFFF8800  }
0x55: {  	[spmem:s2] =	stream.indirect.scatter.add.f32 [tilespmem:s19], [sflag:$0x3], $0x30, s31, s17, $0xb8;
	[tilespmem:$0x1D000] =	vst v63  }
0x56: {  	_ =	swait.ge [sflag:s15], $0x7800  }
0x57: {  	[sflag:s15] =	ssyncset.done $0x0  }
0x58: {  	s1 =	simm.s32 $0xC80;
	[sflag:s15] =	ssyncadd.s32 $0xFFFF8800  }
0x59: {  	[tilespmem:s19], [sflag:$0x2] =	stream.indirect.gather [hbm4b:s4+s17], $0x30, s1, s17, $0xb8;
	[tilespmem:$0x1D000] =	vst v63  }
0x5a: {  	_ =	swait.ge [sflag:s20], $0x7800  }
0x5b: {  	[sflag:s20] =	ssyncset.done $0x0  }
0x5c: {  	s31 =	simm.s32 $0x3200;
	[sflag:s20] =	ssyncadd.s32 $0xFFFF8800  }
0x5d: {  	[spmem:s2] =	stream.indirect.scatter.add.f32 [tilespmem:s18], [sflag:$0x3], $0x30, s31, s17, $0xb8;
	[tilespmem:$0x1D000] =	vst v63  }
0x5e: {  	_ =	swait.ge [sflag:s15], $0x7800  }
0x5f: {  	[sflag:s15] =	ssyncset.done $0x0  }
0x60: {  	s1 =	simm.s32 $0xF00;
	[sflag:s15] =	ssyncadd.s32 $0xFFFF8800  }
0x61: {  	[tilespmem:s18], [sflag:$0x1] =	stream.indirect.gather [hbm4b:s4+s17], $0x30, s1, s17, $0xb8;
	[tilespmem:$0x1D000] =	vst v63  }
0x62: {  	_ =	swait.ge [sflag:s22], $0x7800  }
0x63: {  	[sflag:s22] =	ssyncset.done $0x0  }
0x64: {  	s31 =	simm.s32 $0x3480;
	[sflag:s22] =	ssyncadd.s32 $0xFFFF8800  }
0x65: {  	[spmem:s2] =	stream.indirect.scatter.add.f32 [tilespmem:s19], [sflag:$0x3], $0x30, s31, s17, $0xb8;
	[tilespmem:$0x1D000] =	vst v63  }
0x66: {  	_ =	swait.ge [sflag:s15], $0x7800  }
0x67: {  	[sflag:s15] =	ssyncset.done $0x0  }
0x68: {  	s1 =	simm.s32 $0x1180;
	[sflag:s15] =	ssyncadd.s32 $0xFFFF8800  }
0x69: {  	[tilespmem:s19], [sflag:$0x2] =	stream.indirect.gather [hbm4b:s4+s17], $0x30, s1, s17, $0xb8;
	[tilespmem:$0x1D000] =	vst v63  }
0x6a: {  	_ =	swait.ge [sflag:s20], $0x7800  }
0x6b: {  	[sflag:s20] =	ssyncset.done $0x0  }
0x6c: {  	s31 =	simm.s32 $0x3700;
	[sflag:s20] =	ssyncadd.s32 $0xFFFF8800  }
0x6d: {  	[spmem:s2] =	stream.indirect.scatter.add.f32 [tilespmem:s18], [sflag:$0x3], $0x30, s31, s17, $0xb8;
	[tilespmem:$0x1D000] =	vst v63  }
0x6e: {  	_ =	swait.ge [sflag:s15], $0x7800  }
0x6f: {  	[sflag:s15] =	ssyncset.done $0x0  }
0x70: {  	s1 =	simm.s32 $0x1400;
	[sflag:s15] =	ssyncadd.s32 $0xFFFF8800  }
0x71: {  	[tilespmem:s18], [sflag:$0x1] =	stream.indirect.gather [hbm4b:s4+s17], $0x30, s1, s17, $0xb8;
	[tilespmem:$0x1D000] =	vst v63  }
0x72: {  	_ =	swait.ge [sflag:s22], $0x7800  }
0x73: {  	[sflag:s22] =	ssyncset.done $0x0  }
0x74: {  	s31 =	simm.s32 $0x3980;
	[sflag:s22] =	ssyncadd.s32 $0xFFFF8800  }
0x75: {  	[spmem:s2] =	stream.indirect.scatter.add.f32 [tilespmem:s19], [sflag:$0x3], $0x30, s31, s17, $0xb8;
	[tilespmem:$0x1D000] =	vst v63  }
0x76: {  	_ =	swait.ge [sflag:s15], $0x7800  }
0x77: {  	[sflag:s15] =	ssyncset.done $0x0  }
0x78: {  	s1 =	simm.s32 $0x1680;
	[sflag:s15] =	ssyncadd.s32 $0xFFFF8800  }
0x79: {  	[tilespmem:s19], [sflag:$0x2] =	stream.indirect.gather [hbm4b:s4+s17], $0x30, s1, s17, $0xb8;
	[tilespmem:$0x1D000] =	vst v63  }
0x7a: {  	_ =	swait.ge [sflag:s20], $0x7800  }
0x7b: {  	[sflag:s20] =	ssyncset.done $0x0  }
0x7c: {  	s31 =	simm.s32 $0x3C00;
	[sflag:s20] =	ssyncadd.s32 $0xFFFF8800  }
0x7d: {  	[spmem:s2] =	stream.indirect.scatter.add.f32 [tilespmem:s18], [sflag:$0x3], $0x30, s31, s17, $0xb8;
	[tilespmem:$0x1D000] =	vst v63  }
0x7e: {  	_ =	swait.ge [sflag:s15], $0x7800  }
0x7f: {  	[sflag:s15] =	ssyncset.done $0x0  }
0x80: {  	s1 =	simm.s32 $0x1900;
	[sflag:s15] =	ssyncadd.s32 $0xFFFF8800  }
0x81: {  	[tilespmem:s18], [sflag:$0x1] =	stream.indirect.gather [hbm4b:s4+s17], $0x30, s1, s17, $0xb8;
	[tilespmem:$0x1D000] =	vst v63  }
0x82: {  	_ =	swait.ge [sflag:s22], $0x7800  }
0x83: {  	[sflag:s22] =	ssyncset.done $0x0  }
0x84: {  	s31 =	simm.s32 $0x3E80;
	[sflag:s22] =	ssyncadd.s32 $0xFFFF8800  }
0x85: {  	[spmem:s2] =	stream.indirect.scatter.add.f32 [tilespmem:s19], [sflag:$0x3], $0x30, s31, s17, $0xb8;
	[tilespmem:$0x1D000] =	vst v63  }
0x86: {  	_ =	swait.ge [sflag:s15], $0x7800  }
0x87: {  	[sflag:s15] =	ssyncset.done $0x0  }
0x88: {  	s1 =	simm.s32 $0x1B80;
	[sflag:s15] =	ssyncadd.s32 $0xFFFF8800  }
0x89: {  	[tilespmem:s19], [sflag:$0x2] =	stream.indirect.gather [hbm4b:s4+s17], $0x30, s1, s17, $0xb8;
	[tilespmem:$0x1D000] =	vst v63  }
0x8a: {  	_ =	swait.ge [sflag:s20], $0x7800  }
0x8b: {  	[sflag:s20] =	ssyncset.done $0x0  }
0x8c: {  	s31 =	simm.s32 $0x4100;
	[sflag:s20] =	ssyncadd.s32 $0xFFFF8800  }
0x8d: {  	[spmem:s2] =	stream.indirect.scatter.add.f32 [tilespmem:s18], [sflag:$0x3], $0x30, s31, s17, $0xb8;
	[tilespmem:$0x1D000] =	vst v63  }
0x8e: {  	_ =	swait.ge [sflag:s15], $0x7800  }
0x8f: {  	[sflag:s15] =	ssyncset.done $0x0  }
0x90: {  	s1 =	simm.s32 $0x1E00;
	[sflag:s15] =	ssyncadd.s32 $0xFFFF8800  }
0x91: {  	[tilespmem:s18], [sflag:$0x1] =	stream.indirect.gather [hbm4b:s4+s17], $0x30, s1, s17, $0xb8;
	[tilespmem:$0x1D000] =	vst v63  }
0x92: {  	_ =	swait.ge [sflag:s22], $0x7800  }
0x93: {  	[sflag:s22] =	ssyncset.done $0x0  }
0x94: {  	s31 =	simm.s32 $0x4380;
	[sflag:s22] =	ssyncadd.s32 $0xFFFF8800  }
0x95: {  	[spmem:s2] =	stream.indirect.scatter.add.f32 [tilespmem:s19], [sflag:$0x3], $0x30, s31, s17, $0xb8;
	[tilespmem:$0x1D000] =	vst v63  }
0x96: {  	_ =	swait.ge [sflag:s15], $0x7800  }
0x97: {  	[sflag:s15] =	ssyncset.done $0x0  }
0x98: {  	[sflag:s15] =	ssyncadd.s32 $0xFFFF8800  }
0x99: {  	[tilespmem:s19], [sflag:$0x2] =	stream.indirect.gather [hbm4b:s4+s17], $0x30, s21, s17, $0xb8;
	[tilespmem:$0x1D000] =	vst v63  }
0x9a: {  	_ =	swait.ge [sflag:s20], $0x7800  }
0x9b: {  	[sflag:s20] =	ssyncset.done $0x0  }
0x9c: {  	[sflag:s20] =	ssyncadd.s32 $0xFFFF8800  }
0x9d: {  	[spmem:s2] =	stream.indirect.scatter.add.f32 [tilespmem:s18], [sflag:$0x3], $0x30, s23, s17, $0xb8;
	[tilespmem:$0x1D000] =	vst v63  }
0x9e: {  	_ =	swait.ge [sflag:s15], $0x7800  }
0x9f: {  	[sflag:s15] =	ssyncset.done $0x0  }
0xa0: {  	[sflag:s15] =	ssyncadd.s32 $0xFFFF8800  }
0xa1: {  	[tilespmem:s18], [sflag:$0x1] =	stream.indirect.gather [hbm4b:s4+s17], $0x30, s24, s17, $0xb8;
	[tilespmem:$0x1D000] =	vst v63  }
0xa2: {  	_ =	swait.ge [sflag:s22], $0x7800  }
0xa3: {  	[sflag:s22] =	ssyncset.done $0x0  }
0xa4: {  	[sflag:s22] =	ssyncadd.s32 $0xFFFF8800  }
0xa5: {  	[spmem:s2] =	stream.indirect.scatter.add.f32 [tilespmem:s19], [sflag:$0x3], $0x30, s25, s17, $0xb8;
	[tilespmem:$0x1D000] =	vst v63  }
0xa6: {  	_ =	swait.ge [sflag:s15], $0x7800  }
0xa7: {  	[sflag:s15] =	ssyncset.done $0x0  }
0xa8: {  	[sflag:s15] =	ssyncadd.s32 $0xFFFF8800  }
0xa9: {  	[tilespmem:s19], [sflag:$0x2] =	stream.indirect.gather [hbm4b:s4+s17], $0x30, s26, s17, $0xb8;
	[tilespmem:$0x1D000] =	vst v63  }
0xaa: {  	_ =	swait.ge [sflag:s20], $0x7800  }
0xab: {  	[sflag:s20] =	ssyncset.done $0x0  }
0xac: {  	[sflag:s20] =	ssyncadd.s32 $0xFFFF8800  }
0xad: {  	[spmem:s2] =	stream.indirect.scatter.add.f32 [tilespmem:s18], [sflag:$0x3], $0x30, s28, s17, $0xb8;
	[tilespmem:$0x1D000] =	vst v63  }
0xae: {  	_ =	swait.ge [sflag:s15], $0x7800  }
0xaf: {  	[sflag:s15] =	ssyncset.done $0x0  }
0xb0: {  	[sflag:s15] =	ssyncadd.s32 $0xFFFF8800  }
0xb1: {  	_ =	swait.ge [sflag:s22], $0x7800  }
0xb2: {  	[sflag:s22] =	ssyncset.done $0x0  }
0xb3: {  	[sflag:s22] =	ssyncadd.s32 $0xFFFF8800  }
0xb4: {  	[spmem:s2] =	stream.indirect.scatter.add.f32 [tilespmem:s19], [sflag:$0x3], $0x30, s29, s17, $0xb8;
	[tilespmem:$0x1D000] =	vst v63  }
0xb5: {  	s1 =	stileid.u32;
	_ =	swait.ge [sflag:s15], $0x7800  }
0xb6: {  	s30 =	sadd.s32 $0x1, s30;
	s0 =	sshll.u32 s1, $0x6;
	[sflag:s15] =	ssyncset.done $0x0  }
0xb7: {  	p0 =	sne.s32 s30, s13;
	s0 =	sor.u32 $0x1C03, s0;
	[sflag:s15] =	ssyncadd.s32 $0xFFFF8800  }
.Ltmp1:
0xb8: {  	s31 =	sshrl.u32 s5, $0x3;
	[bflag:$0x0] =	sbarrier.arrive $0xFFFF;
	(pc) =	sbr.rel @p0 .LBB2_1-.Ltmp1, $4  }
0xb9: {  	[hbm:s12], [sflag:s0] =	dma.local [spmem:s31], $0xF00  }
0xba: {  	_ =	swait.ge [sflag:s15], $0xF00  }
0xbb: {  	[sflag:s15] =	ssyncset.done $0x0  }
0xbc: {  	[sflag:s15] =	ssyncadd.s32 $0xFFFFF100  }
0xbd: {  	_ =	sfence.sel $0x180000  }
0xbe: {  	[bflag:$0x0] =	sbarrier.arrive $0xFFFF  }
0xbf: {  	_ =	strace $0x9000004D  }
0xc0: {  	s0 =	stileid.u32;
	[bflag:$0x2] =	sbarrier.arrive $0xFFFF  }
0xc1: {  	p0 =	sne.s32 s0, $0x0;
	s0 =	rddreg [dreg:$0x3]  }
0xc2: {  	s0 =	sadd.s32 @!p0 $0x100000, s0  }
0xc3: {  	[sflag:s0] =	ssyncadd.tile.s32 @!p0 $0x1;
	_ =	shalt  }
.Lfunc_end2:
_tile_overlayer_lowered:
.L_overlay_start_2:
0xc4: {  	(tag) =	ssettag $0x2  }
0xc5: {  	s0 =	rddreg [dreg:$0x0];
	s2 =	stileid.u32  }
0xc6: {  	s1 =	rddreg [dreg:$0x1];
	p0 =	sne.s32 s2, $0x0  }
0xc7: {  	s3 =	rddreg [dreg:$0x2];
	[bflag:$0x3] =	sbarrier.arrive $0xFFFF;
	s2 =	simm.s32 @!p0 $0x1C03  }
0xc8: {  	[timem:s3], [sflag:s2] =	dma.local @!p0 [hbm:s0], s1  }
0xc9: {  	s0 =	simm.s32 @!p0 $0x3  }
0xca: {  	_ =	swait.ge @!p0 [sflag:s0], s1  }
0xcb: {  	s1 =	ssub.s32 @!p0 $0x0, s1;
	[sflag:s0] =	ssyncset.done @!p0 $0x0  }
0xcc: {  	[sflag:s0] =	ssyncadd.s32 @!p0 s1  }
0xcd: {  	[bflag:$0x3] =	sbarrier.arrive $0xFFFF  }
0xce: {  	_ =	shalt  }

// kernel: kernel.8.cloned.1.call-start
scs
__scs_entry_jumppad:
0x0: {  	(pc) =	sbr.rel $0x88, $3  }
0x1: {  	(tag) =	ssettag $0x0;
	lr =	simm.s32 $0x1  }
0x2: {  	[smem:$0x3F9B] =	sst lr;
	_ =	strace $0xD0000000  }
0x3: {  	_ = 	snop  }
0x4: {  	_ = 	snop  }
0x5: {  	_ = 	snop  }
0x6: {  	_ = 	snop  }
0x7: {  	_ = 	snop  }
__scs_overlays_trampoline_lowered:
0x8: {  	[smem:$0x3FAA] =	sst s0  }
0x9: {  	[smem:$0x3FAB] =	sst s1  }
0xa: {  	[smem:$0x3FAC] =	sst s2  }
0xb: {  	[smem:$0x3FAD] =	sst s3  }
0xc: {  	[smem:$0x3FAE] =	sst s4  }
0xd: {  	[smem:$0x3FAF] =	sst s5  }
0xe: {  	[smem:$0x3FB0] =	sst s6  }
0xf: {  	[smem:$0x3FB1] =	sst s7  }
0x10: {  	[smem:$0x3FB2] =	sst s8  }
0x11: {  	[smem:$0x3FB3] =	sst s9;
	s0 =	simm.s32 @!p0 $0x0  }
0x12: {  	s1 =	sld [smem:$0x3F99];
	s0 =	simm.s32 @p0 $0x1  }
0x13: {  	[smem:$0x3FB4] =	sst s0;
	s0 =	simm.s32 @!p1 $0x0  }
0x14: {  	s2 =	sld [smem:$0x3F98];
	s0 =	simm.s32 @p1 $0x1  }
0x15: {  	[smem:$0x3FB5] =	sst s0;
	s0 =	simm.s32 @!p2 $0x0  }
0x16: {  	s3 =	sld [smem:$0x3FDB];
	s0 =	simm.s32 @p2 $0x1  }
0x17: {  	s4 =	simm.s32 $0x1BF5;
	[smem:$0x3FB7] =	sst s0  }
0x18: {  	s0 =	sld [smem:$0x3F9A];
	_ =	swait.ge [sflag:s4], $0x0  }
0x19: {  	s7 =	sld [smem:$0x3F9B]  }
0x1a: {  	s8 =	sadd.s32 $0xFFFFE003, lr  }
0x1b: {  	s9 =	sadd.s32 $0xFFFFFEF7, lr;
	s5 =	simm.s32 $0xFFFFFFFF;
	p2 =	slt.u32 s8, $0xFFFFF086  }
0x1c: {  	p1 =	slt.u32 s9, $0xF7A;
	s5 =	simm.s32 @!p2 $0x0  }
0x1d: {  	s5 =	simm.s32 @p1 $0x1;
	p0 =	seq.s32 s7, s2  }
0x1e: {  	s7 =	smul.u32 @!p0 $0xF7A, s2;
	p2 =	seq.s32 @!p0 s5, $0x0  }
0x1f: {  	s9 =	smul.u32 $0xF7A, s1;
	s8 =	simm.s32 @!p0 $0x1BF5;
	p2 =	por !p2, p0  }
0x20: {  	[sflag:s8] =	ssyncset.s32 @!p0 $0xFFFFF086;
	s6 =	sadd.s32 @!p0 s3, s7;
	s7 =	simm.s32 @!p0 $0x108  }
0x21: {  	s3 =	sadd.s32 s3, s9;
	s6 =	sadd.s32 @!p0 $0x88, s6;
	s7 =	simm.s32 @p2 $0x1082  }
0x22: {  	[simem:s7], [sflag:s8] =	dma.local @!p0 [hbm:s6], $0xF7A  }
0x23: {  	s9 =	sor.u32 $0xD0000000, s2;
	s6 =	simm.s32 $0x108;
	_ =	swait.ge @!p0 [sflag:s8], $0x0  }
0x24: {  	s3 =	sadd.s32 $0x88, s3;
	s6 =	simm.s32 @!p1 $0x1082;
	[sflag:s4] =	ssyncset.s32 $0xFFFFF086  }
0x25: {  	[simem:s6], [sflag:s4] =	dma.local [hbm:s3], $0xF7A  }
0x26: {  	[smem:$0x3F9B] =	sst s1;
	(tag) =	ssettag s2;
	_ =	strace s9  }
0x27: {  	s1 =	sld [smem:$0x3FAB]  }
0x28: {  	s2 =	sld [smem:$0x3FAC]  }
0x29: {  	s4 =	sld [smem:$0x3FAE]  }
0x2a: {  	p0 =	seq.s32 s5, $0x0;
	s5 =	sld [smem:$0x3FAF]  }
0x2b: {  	s6 =	sld [smem:$0x3FB0]  }
0x2c: {  	s7 =	sld [smem:$0x3FB1]  }
0x2d: {  	s3 =	simm.s32 $0x108;
	s8 =	sld [smem:$0x3FB2]  }
0x2e: {  	s3 =	simm.s32 @!p0 $0x1082;
	s9 =	sld [smem:$0x3FB3]  }
0x2f: {  	lr =	sadd.s32 s0, s3;
	s0 =	sld [smem:$0x3FAA]  }
0x30: {  	s3 =	sld [smem:$0x3FAD]  }
0x31: {  	[smem:$0x3FB6] =	sst s10  }
0x32: {  	s10 =	sld [smem:$0x3FB4];
	_ =	sdelay $0x3  }
0x33: {  	p0 =	seq.s32 s10, $0x1;
	s10 =	sld [smem:$0x3FB6];
	_ =	sdelay $0x3  }
0x34: {  	[smem:$0x3FB6] =	sst s10  }
0x35: {  	s10 =	sld [smem:$0x3FB5];
	_ =	sdelay $0x3  }
0x36: {  	p1 =	seq.s32 s10, $0x1;
	s10 =	sld [smem:$0x3FB6];
	_ =	sdelay $0x3  }
0x37: {  	[smem:$0x3FB6] =	sst s10  }
0x38: {  	s10 =	sld [smem:$0x3FB7]  }
0x39: {  	_ = 	snop;
	(pc) =	sbr.ind lr, $3  }
0x3a: {  	_ = 	snop  }
0x3b: {  	_ = 	snop  }
0x3c: {  	p2 =	seq.s32 s10, $0x1;
	s10 =	sld [smem:$0x3FB6]  }
0x3d: {  	_ =	shalt  }
0x3e: {  	_ =	shalt  }
0x3f: {  	_ =	shalt  }
0x40: {  	_ =	shalt  }
0x41: {  	_ =	shalt  }
0x42: {  	_ =	shalt  }
0x43: {  	_ =	shalt  }
0x44: {  	_ =	shalt  }
0x45: {  	_ =	shalt  }
0x46: {  	_ =	shalt  }
0x47: {  	_ =	shalt  }
0x48: {  	_ =	shalt  }
0x49: {  	_ =	shalt  }
0x4a: {  	_ =	shalt  }
0x4b: {  	_ =	shalt  }
0x4c: {  	_ =	shalt  }
0x4d: {  	_ =	shalt  }
0x4e: {  	_ =	shalt  }
0x4f: {  	_ =	shalt  }
0x50: {  	_ =	shalt  }
0x51: {  	_ =	shalt  }
0x52: {  	_ =	shalt  }
0x53: {  	_ =	shalt  }
0x54: {  	_ =	shalt  }
0x55: {  	_ =	shalt  }
0x56: {  	_ =	shalt  }
0x57: {  	_ =	shalt  }
0x58: {  	_ =	shalt  }
0x59: {  	_ =	shalt  }
0x5a: {  	_ =	shalt  }
0x5b: {  	_ =	shalt  }
0x5c: {  	_ =	shalt  }
0x5d: {  	_ =	shalt  }
0x5e: {  	_ =	shalt  }
0x5f: {  	_ =	shalt  }
0x60: {  	_ =	shalt  }
0x61: {  	_ =	shalt  }
0x62: {  	_ =	shalt  }
0x63: {  	_ =	shalt  }
0x64: {  	_ =	shalt  }
0x65: {  	_ =	shalt  }
0x66: {  	_ =	shalt  }
0x67: {  	_ =	shalt  }
0x68: {  	_ =	shalt  }
0x69: {  	_ =	shalt  }
0x6a: {  	_ =	shalt  }
0x6b: {  	_ =	shalt  }
0x6c: {  	_ =	shalt  }
0x6d: {  	_ =	shalt  }
0x6e: {  	_ =	shalt  }
0x6f: {  	_ =	shalt  }
0x70: {  	_ =	shalt  }
0x71: {  	_ =	shalt  }
0x72: {  	_ =	shalt  }
0x73: {  	_ =	shalt  }
0x74: {  	_ =	shalt  }
0x75: {  	_ =	shalt  }
0x76: {  	_ =	shalt  }
0x77: {  	_ =	shalt  }
0x78: {  	_ =	shalt  }
0x79: {  	_ =	shalt  }
0x7a: {  	_ =	shalt  }
0x7b: {  	_ =	shalt  }
0x7c: {  	_ =	shalt  }
0x7d: {  	_ =	shalt  }
0x7e: {  	_ =	shalt  }
0x7f: {  	_ =	shalt  }
0x80: {  	_ =	shalt  }
0x81: {  	_ =	shalt  }
0x82: {  	_ =	shalt  }
0x83: {  	_ =	shalt  }
0x84: {  	_ =	shalt  }
0x85: {  	_ =	shalt  }
0x86: {  	_ =	shalt  }
0x87: {  	_ =	shalt  }
.Lfunc_end0:
.L_simem_size_0:
called_computation_lowered:
.L_overlay_start_0:
0x88: {  	s2 =	sld [smem:$0x3FD9]  }
0x89: {  	s3 =	sld [smem:$0x3FFE];
	_ =	sdelay $0x1  }
0x8a: {  	s1 =	srdreg.scid  }
0x8b: {  	s0 =	sand.u32 $0x1, s1  }
0x8c: {  	s17 =	sshll.u32 s0, $0xA;
	s2 =	sadd.s32 s3, s2  }
0x8d: {  	s2 =	sadd.s32 s2, s17  }
0x8e: {  	[smem:$0x3FC2] =	sst s2  }
0x8f: {  	_ = 	snop  }
0x90: {  	s2 =	sld [smem:$0x3FD0];
	(tm) =	ssettm $0x1  }
0x91: {  	s18 =	sld [smem:$0x3FFB];
	_ =	sdelay $0x3  }
0x92: {  	_ =	strace s18  }
0x93: {  	s3 =	sld [smem:$0x3FFC];
	_ =	sdelay $0x3  }
0x94: {  	_ =	strace s3  }
0x95: {  	s3 =	sld [smem:$0x3FFD];
	_ =	sdelay $0x3  }
0x96: {  	_ =	strace s3  }
0x97: {  	_ =	strace $0x8FFFFFFF  }
0x98: {  	s19 =	sld [smem:$0x3FDB];
	_ =	sdelay $0x1  }
0x99: {  	s4 =	simm.s32 $_scs_section_size  }
0x9a: {  	s5 =	simm.s32 $_size__tile_overlayer_lowered;
	s6 =	simm.s32 $_tile_overlayer_lowered  }
0x9b: {  	s22 =	simm.s32 $0x1BFF;
	s21 =	sshll.u32 s6, $0x1;
	s3 =	sadd.s32 s4, s19  }
0x9c: {  	s7 =	simm.s32 $0x0;
	s20 =	sshll.u32 s5, $0x1;
	s5 =	sadd.s32 s21, s3  }
0x9d: {  	[timem:s7], [sflag:s22] =	dma.local [hbm:s5], s20  }
0x9e: {  	_ =	swait.ge [sflag:s22], s20  }
0x9f: {  	s4 =	ssub.s32 $0x0, s20;
	[sflag:s22] =	ssyncset.done $0x0  }
0xa0: {  	[sflag:s22] =	ssyncadd.s32 s4;
	_ =	sdelay $0x1  }
0xa1: {  	s23 =	simm.s32 $0x1B8B  }
0xa2: {  	_ =	swait.ge [sflag:s23], $0x1  }
0xa3: {  	[sflag:s23] =	ssyncset.done $0x0  }
0xa4: {  	s25 =	simm.s32 $0x1B8E;
	s24 =	sld [smem:$0x3FFE];
	[sflag:s23] =	ssyncadd.s32 $0xFFFFFFFF  }
0xa5: {  	s26 =	simm.s32 $execute0_lowered;
	[smem:$0x3FD2] =	sst s25  }
0xa6: {  	s5 =	sshll.u32 s26, $0x1;
	_ =	strace $0x80000046;
	[dreg:$0x1] =	wrdreg $0xFFFFFFFF  }
0xa7: {  	s28 =	simm.s32 $_size_execute0_lowered;
	s3 =	sadd.s32 s3, s5;
	[dreg:$0x0] =	wrdreg $0x0  }
0xa8: {  	s5 =	sshll.u32 s28, $0x1;
	[dreg:$0x2] =	wrdreg s3  }
0xa9: {  	[dreg:$0x3] =	wrdreg s5  }
0xaa: {  	[dreg:$0x4] =	wrdreg $0xC0  }
0xab: {  	_ =	task [dreg:s7], $0x5FFFF  }
0xac: {  	[dreg:$0x1] =	wrdreg $0xFFFFFFFF  }
0xad: {  	[dreg:$0x0] =	wrdreg $0x60  }
0xae: {  	[dreg:$0x2] =	wrdreg s2  }
0xaf: {  	[dreg:$0x3] =	wrdreg s24  }
0xb0: {  	[dreg:$0x4] =	wrdreg $0x9  }
0xb1: {  	_ =	task.clear_ibuf [dreg:s7], $0x5FFFF;
	_ =	strace $0x90000046  }
0xb2: {  	s29 =	simm.s32 $0x9;
	_ =	strace $0x80000048  }
0xb3: {  	_ =	swait.ge [sflag:s29], $0x1  }
0xb4: {  	[sflag:s29] =	ssyncadd.s32 $0xFFFFFFFF  }
0xb5: {  	_ =	strace $0x90000048  }
0xb6: {  	_ =	sfence  }
0xb7: {  	s30 =	sld [smem:$0x0];
	_ =	sdelay $0x2  }
0xb8: {  	s31 =	sshll.u32 s1, $0xD;
	s1 =	sshrl.u32 s1, $0x2  }
0xb9: {  	s3 =	sand.u32 $0x4000, s31;
	s1 =	sadd.s32 s1, s30  }
0xba: {  	s0 =	sor.u32 s3, s0;
	s1 =	sshll.u32 s1, $0x11  }
0xbb: {  	s0 =	sor.u32 s1, s0  }
0xbc: {  	s0 =	sadd.s32 $0x8F2B, s0  }
0xbd: {  	[sflag:s0] =	ssyncadd.remote.s32 $0x1  }
0xbe: {  	_ =	sfence.sel $0xFFFF  }
0xbf: {  	[dreg:$0x0] =	wrdreg $0xFFFFFFFF;
	(pc) =	sbr.abs _section_cstart, $3  }
0xc0: {  	[dreg:$0x1] =	wrdreg $0xFFFFFFFF  }
0xc1: {  	_ =	task.clear_ibuf [dreg:s7], $0x2FFFF;
	_ =	strace $0x9FFFFFFF  }
0xc2: {  	(tm) =	ssettm $0x7FFFFFFF  }
0xc3: {  	_ =	shalt  }
tec
execute0_lowered:
.L_overlay_start_1:
0x0: {  	(tag) =	ssettag $0x1  }
0x1: {  	s0 =	srdreg.scid;
	s3 =	rddreg [dreg:$0x0]  }
0x2: {  	s5 =	rddreg [dreg:$0x1];
	s4 =	sand.u32 $0x1, s0  }
0x3: {  	s1 =	stileid.u32;
	s8 =	simm.s32 $0x0;
	s2 =	sshll.u32 s4, $0x4  }
0x4: {  	s4 =	ssub.s32 $0x2, s4;
	s6 =	sor.u32 s1, s2;
	s2 =	simm.s32 $0x0  }
0x5: {  	s7 =	sshrl.u32 s4, $0x1;
	s6 =	smul.u32 $0x500, s6;
	[smem:$0x7FF] =	sst s2  }
0x6: {  	s0 =	rddreg [dreg:$0x2];
	s7 =	ssub.s32 s4, s7;
	_ =	strace $0x80000047  }
0x7: {  	s5 =	sadd.s32 s6, s5;
	s3 =	sadd.s32 s3, s6;
	s6 =	simm.s32 $0x1  }
0x8: {  	v0 =	vimm.f32 $0.0e+00;
	v1 =	vimm.f32 $1.000000000e+00;
	s4 =	sadd.s32 $0xB600, s5;
	s5 =	smax.u32 s7, $0x1;
	s7 =	simm.s32 $0x2800  }
.LBB2_1:
0x9: {  	s9 =	simm.s32 $0x40;
	s10 =	simm.s32 $0x0  }
.LBB2_2:
0xa: {  	p0 =	sne.s32 s9, $0x9FC0;
	[tilespmem:s10+$0x2800] =	vst v0;
	s10 =	smov.u32 s9;
	s9 =	sadd.s32 $0x40, s9  }
.Ltmp0:
0xb: {  	(pc) =	sbr.rel @p0 .LBB2_2-.Ltmp0, $2  }
0xc: {  	_ =	sdelay $0x2  }
0xd: {  	s10 =	sshra.s32 s10, $0x2  }
0xe: {  	[tilespmem:s10+$0x2800] =	vst v0;
	s9 =	simm.s32 $0x0  }
0xf: {  	[tilespmem:s9], [sflag:$0x1] =	stream.linear.gather [hbm4b:s3+s9], $0x2800, $0x38;
	[tilespmem:$0x5000] =	vst v63  }
0x10: {  	_ =	swait.ge [sflag:s6], $0x2800  }
0x11: {  	[sflag:s6] =	ssyncset.done $0x0  }
0x12: {  	s10 =	simm.s32 $0x0;
	s9 =	simm.s32 $0x40;
	[sflag:s6] =	ssyncadd.s32 $0xFFFFD800  }
.LBB2_4:
0x13: {  	p0 =	sne.s32 s9, $0x9FC0;
	v2 =	vld [tilespmem:s10+$0x0];
	_ =	sdelay $0x3  }
.Ltmp1:
0x14: {  	(pc) =	sbr.rel @p0 .LBB2_4-.Ltmp1, $2  }
0x15: {  	_ =	sdelay $0x2  }
0x16: {  	s10 =	sshra.s32 s9, $0x2;
	s9 =	sadd.s32 $0x40, s9;
	[tilespmem:v2+s7+$0x0] =	vst.idx.add.f32.msk $0xffff, v1  }
0x17: {  	v2 =	vld [tilespmem:s10+$0x0];
	_ =	sdelay $0x5  }
0x18: {  	s8 =	sadd.s32 $0x1, s8  }
0x19: {  	p0 =	sne.s32 s8, s5  }
.Ltmp2:
0x1a: {  	[tilespmem:v2+s7+$0x0] =	vst.idx.add.f32.msk $0xffff, v1;
	(pc) =	sbr.rel @p0 .LBB2_1-.Ltmp2, $4  }
0x1b: {  	[hbm4b:s4+s2] =	stream.linear.scatter [tilespmem:s7], [sflag:$0x1], $0x2800, $0x38;
	[tilespmem:$0x5000] =	vst v63  }
0x1c: {  	_ =	swait.ge [sflag:s6], $0x2800  }
0x1d: {  	[sflag:s6] =	ssyncset.done $0x0  }
0x1e: {  	[sflag:s6] =	ssyncadd.s32 $0xFFFFD800  }
0x1f: {  	_ =	sfence.sel $0x180000  }
0x20: {  	[bflag:$0x0] =	sbarrier.arrive $0xFFFF  }
0x21: {  	p0 =	sne.s32 s1, $0x0;
	_ =	strace $0x90000047  }
0x22: {  	s0 =	sadd.s32 @!p0 $0x100000, s0;
	[bflag:$0x2] =	sbarrier.arrive $0xFFFF  }
0x23: {  	[sflag:s0] =	ssyncadd.tile.s32 @!p0 $0x1;
	_ =	shalt  }
.Lfunc_end2:
_tile_overlayer_lowered:
.L_overlay_start_2:
0x24: {  	(tag) =	ssettag $0x2  }
0x25: {  	s0 =	rddreg [dreg:$0x0];
	s2 =	stileid.u32  }
0x26: {  	s1 =	rddreg [dreg:$0x1];
	p0 =	sne.s32 s2, $0x0  }
0x27: {  	s3 =	rddreg [dreg:$0x2];
	[bflag:$0x3] =	sbarrier.arrive $0xFFFF;
	s2 =	simm.s32 @!p0 $0x1C01  }
0x28: {  	[timem:s3], [sflag:s2] =	dma.local @!p0 [hbm:s0], s1  }
0x29: {  	s0 =	simm.s32 @!p0 $0x1  }
0x2a: {  	_ =	swait.ge @!p0 [sflag:s0], s1  }
0x2b: {  	s1 =	ssub.s32 @!p0 $0x0, s1;
	[sflag:s0] =	ssyncset.done @!p0 $0x0  }
0x2c: {  	[sflag:s0] =	ssyncadd.s32 @!p0 s1  }
0x2d: {  	[bflag:$0x3] =	sbarrier.arrive $0xFFFF  }
0x2e: {  	_ =	shalt  }

</sc_bundles>
